<compile_context>
chip_gen: v7x
topology: tpu7x:2x2x1
jax: 0.10.2.dev20260603
libtpu: 0.0.44.dev20260713+nightly
codegen_flags: <defaults>
</compile_context>

<pallas_src>
import functools

import jax
import jax.numpy as jnp
from jax import lax
from jax.experimental import pallas as pl
from jax.experimental.pallas import tpu as pltpu
from jax.experimental.pallas import tpu_sc as plsc

_CH = 1024
_L = 16


def _build(B, P, E_pad, nchunk):
    info = plsc.get_sparse_core_info()
    NC, NS = info.num_cores, info.num_subcores
    NW = NC * NS
    assert NW == B, (NW, B)

    mesh = plsc.VectorSubcoreMesh(core_axis_name="c", subcore_axis_name="s")

    @functools.partial(
        pl.kernel,
        mesh=mesh,
        out_type=jax.ShapeDtypeStruct((NW, _L), jnp.float32),
        compiler_params=pltpu.CompilerParams(needs_layout_passes=False,
                                             use_tc_tiling_on_sc=False),
        scratch_types=[
            pltpu.VMEM((3, P), jnp.float32),
            pltpu.VMEM((3, P), jnp.float32),
            pltpu.VMEM((2, 4, _CH), jnp.int32),
            pltpu.VMEM((_L,), jnp.float32),
            pltpu.SemaphoreType.DMA,
            pltpu.SemaphoreType.DMA,
            pltpu.SemaphoreType.DMA((2,)),
        ],
    )
    def edge_loss(gt_hbm, est_hbm, conn_hbm, out_hbm,
                  gt_v, est_v, conn_v, acc_v, gt_sem, est_sem, conn_sems):
        wid = lax.axis_index("s") * NC + lax.axis_index("c")
        vert_cps = []
        for d in range(3):
            vert_cps.append(pltpu.make_async_copy(
                gt_hbm.at[d, wid], gt_v.at[d], gt_sem))
            vert_cps.append(pltpu.make_async_copy(
                est_hbm.at[d, wid], est_v.at[d], est_sem))
        for cp in vert_cps:
            cp.start()
        pltpu.make_async_copy(conn_hbm.at[0], conn_v.at[0],
                              conn_sems.at[0]).start()
        for cp in vert_cps:
            cp.wait()

        def compute_group(buf, base):
            a0 = conn_v[buf, 0, pl.ds(base, _L)]
            a1 = conn_v[buf, 1, pl.ds(base, _L)]
            b0 = conn_v[buf, 2, pl.ds(base, _L)]
            b1 = conn_v[buf, 3, pl.ds(base, _L)]
            sq = []
            for d in range(3):
                g1 = plsc.load_gather(gt_v.at[d], [a1])
                g0 = plsc.load_gather(gt_v.at[d], [a0])
                e1 = plsc.load_gather(est_v.at[d], [b1])
                e0 = plsc.load_gather(est_v.at[d], [b0])
                s = (g1 - g0) - (e1 - e0)
                sq.append(s * s)
            return (sq[0] + sq[1]) + sq[2]

        def chunk_body(k, acc):
            buf = lax.rem(k, 2)
            nxt = 1 - buf
            pltpu.make_async_copy(conn_hbm.at[k], conn_v.at[buf],
                                  conn_sems.at[buf]).wait()

            @pl.when(k + 1 < nchunk)
            def _():
                pltpu.make_async_copy(conn_hbm.at[k + 1], conn_v.at[nxt],
                                      conn_sems.at[nxt]).start()

            def group(g, accs):
                a0, a1, a2, a3 = accs
                return (a1, a2, a3, a0 + compute_group(buf, g * _L))

            return plsc.parallel_loop(0, _CH // _L, carry=acc,
                                      unroll=4)(group)

        zero = jnp.zeros((_L,), jnp.float32)
        accs = lax.fori_loop(0, nchunk, chunk_body, (zero,) * 4)
        acc_v[...] = (accs[0] + accs[1]) + (accs[2] + accs[3])
        pltpu.sync_copy(acc_v, out_hbm.at[wid])

    return edge_loss


def kernel(gt_vertices, est_vertices, gt_connections, est_connections):
    B, N, _ = gt_vertices.shape
    E = gt_connections.shape[0]
    nchunk = -(-E // _CH)
    E_pad = nchunk * _CH

    conn = jnp.stack(
        [gt_connections[:, 0], gt_connections[:, 1],
         est_connections[:, 0], est_connections[:, 1]], axis=0)
    conn = jnp.pad(conn, ((0, 0), (0, E_pad - E)))
    conn = conn.reshape(4, nchunk, _CH).transpose(1, 0, 2)

    fn = _build(B, N, E_pad, nchunk)
    partials = fn(jnp.transpose(gt_vertices, (2, 0, 1)),
                  jnp.transpose(est_vertices, (2, 0, 1)), conn)
    return jnp.sum(partials)

# --- scband reference (transcript-rebuilt; emitter-appended) ---
"""Pipeline reference for scband-vertex-edge-loss-2310692405514 (READ-ONLY COPY).

The authoritative reference and input builder live on the scoring server;
editing this copy changes nothing except your own understanding.
"""

import jax, jax.numpy as jnp
import numpy as np

B = 32
N = 10475
E = 20908


def setup_inputs(seed: int = 0) -> dict:
    key = jax.random.key(seed)
    k1, k2, k3, k4 = jax.random.split(key, 4)
    gt_vertices = jax.random.normal(k1, (B, N, 3), dtype=jnp.float32)
    est_vertices = jax.random.normal(k2, (B, N, 3), dtype=jnp.float32)
    gt_connections = jax.random.randint(k3, (E, 2), 0, N, dtype=jnp.int32)
    est_connections = jax.random.randint(k4, (E, 2), 0, N, dtype=jnp.int32)
    return {
        "gt_vertices": gt_vertices,
        "est_vertices": est_vertices,
        "gt_connections": gt_connections,
        "est_connections": est_connections,
    }


def _compute_edges(points, connections):
    flat = connections.reshape(-1)
    edge_points = jnp.take(points, flat, axis=1).reshape(points.shape[0], -1, 2, 3)
    return edge_points[:, :, 1] - edge_points[:, :, 0]


def reference(gt_vertices, est_vertices, gt_connections, est_connections):
    gt_edges = _compute_edges(gt_vertices, gt_connections)
    est_edges = _compute_edges(est_vertices, est_connections)
    raw_edge_diff = gt_edges - est_edges
    # norm_type == 'l2'
    edge_diff = jnp.square(raw_edge_diff)
    # reduction == 'sum'
    return edge_diff.sum()

if __name__ == "__main__":
    import jax
    _d = setup_inputs()
    print(jax.jit(kernel)(*tuple(_d.values())))

</pallas_src>

<mosaic_0001>
#map = affine_map<(d0, d1) -> (0, 0, 0)>
#map1 = affine_map<(d0, d1) -> (0, 0)>
module attributes {stable_mosaic.version = 14 : i64} {
  func.func @edge_loss(%arg0: i32, %arg1: i32, %arg2: memref<3x32x10475xf32, #tpu.memory_space<hbm>>, %arg3: memref<3x32x10475xf32, #tpu.memory_space<hbm>>, %arg4: memref<21x4x1024xi32, #tpu.memory_space<hbm>>, %arg5: memref<32x16xf32, #tpu.memory_space<hbm>>, %arg6: memref<3x10475xf32, #tpu.memory_space<vmem>>, %arg7: memref<3x10475xf32, #tpu.memory_space<vmem>>, %arg8: memref<2x4x1024xi32, #tpu.memory_space<vmem>>, %arg9: memref<16xf32, #tpu.memory_space<vmem>>, %arg10: memref<!tpu.dma_semaphore, #tpu.memory_space<semaphore_mem>>, %arg11: memref<!tpu.dma_semaphore, #tpu.memory_space<semaphore_mem>>, %arg12: memref<2x!tpu.dma_semaphore, #tpu.memory_space<semaphore_mem>>) attributes {dimension_semantics = [#tpu.dimension_semantics<core_parallel>, #tpu.dimension_semantics<subcore_parallel>], iteration_bounds = array<i64: 2, 16>, scalar_prefetch = 0 : i64, scratch_operands = 7 : i64, tpu.core_type = #tpu.core_type<sc_vector_subcore>, window_params = [{transform_indices = #map}, {transform_indices = #map}, {transform_indices = #map}, {transform_indices = #map1}]} {
    %mul3A = arith.constant 2 : i32
    %mul3A_0 = arith.muli %arg1, %mul3A : i32
    %add3A = arith.addi %mul3A_0, %arg0 : i32
    %dma_start3A = arith.constant 0 : i32
    %dma_start3A_1 = arith.constant 0 : i32
    %dma_start3A_2 = arith.constant 0 : i32
    %dma_start3A_3 = tpu.memref_slice %arg6[%dma_start3A_1, %dma_start3A_2] : memref<3x10475xf32, #tpu.memory_space<vmem>> -> memref<1x10475xf32, #tpu.memory_space<vmem>>
    %dma_start3A_4 = tpu.memref_squeeze %dma_start3A_3 : memref<1x10475xf32, #tpu.memory_space<vmem>> -> memref<10475xf32, #tpu.memory_space<vmem>>
    %dma_start3A_5 = arith.constant 0 : i32
    %dma_start3A_6 = tpu.memref_slice %arg2[%dma_start3A, %add3A, %dma_start3A_5] : memref<3x32x10475xf32, #tpu.memory_space<hbm>> -> memref<1x1x10475xf32, #tpu.memory_space<hbm>>
    %dma_start3A_7 = tpu.memref_squeeze %dma_start3A_6 : memref<1x1x10475xf32, #tpu.memory_space<hbm>> -> memref<10475xf32, #tpu.memory_space<hbm>>
    %dma_start3A_8 = arith.constant 0 : i32
    %dma_start3A_9 = tpu.memref_slice %arg6[%dma_start3A_1, %dma_start3A_8] : memref<3x10475xf32, #tpu.memory_space<vmem>> -> memref<1x10475xf32, #tpu.memory_space<vmem>>
    %dma_start3A_10 = tpu.memref_squeeze %dma_start3A_9 : memref<1x10475xf32, #tpu.memory_space<vmem>> -> memref<10475xf32, #tpu.memory_space<vmem>>
    %dma_start3A_11 = arith.constant 0 : i32
    %dma_start3A_12 = tpu.memref_slice %arg2[%dma_start3A, %add3A, %dma_start3A_11] : memref<3x32x10475xf32, #tpu.memory_space<hbm>> -> memref<1x1x10475xf32, #tpu.memory_space<hbm>>
    %dma_start3A_13 = tpu.memref_squeeze %dma_start3A_12 : memref<1x1x10475xf32, #tpu.memory_space<hbm>> -> memref<10475xf32, #tpu.memory_space<hbm>>
    tpu.enqueue_dma source(%dma_start3A_13 : memref<10475xf32, #tpu.memory_space<hbm>>) target(%dma_start3A_10 : memref<10475xf32, #tpu.memory_space<vmem>>) target_semaphore(%arg10 : memref<!tpu.dma_semaphore, #tpu.memory_space<semaphore_mem>>)
    %dma_start3A_14 = arith.constant 0 : i32
    %dma_start3A_15 = arith.constant 0 : i32
    %dma_start3A_16 = arith.constant 0 : i32
    %dma_start3A_17 = tpu.memref_slice %arg7[%dma_start3A_15, %dma_start3A_16] : memref<3x10475xf32, #tpu.memory_space<vmem>> -> memref<1x10475xf32, #tpu.memory_space<vmem>>
    %dma_start3A_18 = tpu.memref_squeeze %dma_start3A_17 : memref<1x10475xf32, #tpu.memory_space<vmem>> -> memref<10475xf32, #tpu.memory_space<vmem>>
    %dma_start3A_19 = arith.constant 0 : i32
    %dma_start3A_20 = tpu.memref_slice %arg3[%dma_start3A_14, %add3A, %dma_start3A_19] : memref<3x32x10475xf32, #tpu.memory_space<hbm>> -> memref<1x1x10475xf32, #tpu.memory_space<hbm>>
    %dma_start3A_21 = tpu.memref_squeeze %dma_start3A_20 : memref<1x1x10475xf32, #tpu.memory_space<hbm>> -> memref<10475xf32, #tpu.memory_space<hbm>>
    %dma_start3A_22 = arith.constant 0 : i32
    %dma_start3A_23 = tpu.memref_slice %arg7[%dma_start3A_15, %dma_start3A_22] : memref<3x10475xf32, #tpu.memory_space<vmem>> -> memref<1x10475xf32, #tpu.memory_space<vmem>>
    %dma_start3A_24 = tpu.memref_squeeze %dma_start3A_23 : memref<1x10475xf32, #tpu.memory_space<vmem>> -> memref<10475xf32, #tpu.memory_space<vmem>>
    %dma_start3A_25 = arith.constant 0 : i32
    %dma_start3A_26 = tpu.memref_slice %arg3[%dma_start3A_14, %add3A, %dma_start3A_25] : memref<3x32x10475xf32, #tpu.memory_space<hbm>> -> memref<1x1x10475xf32, #tpu.memory_space<hbm>>
    %dma_start3A_27 = tpu.memref_squeeze %dma_start3A_26 : memref<1x1x10475xf32, #tpu.memory_space<hbm>> -> memref<10475xf32, #tpu.memory_space<hbm>>
    tpu.enqueue_dma source(%dma_start3A_27 : memref<10475xf32, #tpu.memory_space<hbm>>) target(%dma_start3A_24 : memref<10475xf32, #tpu.memory_space<vmem>>) target_semaphore(%arg11 : memref<!tpu.dma_semaphore, #tpu.memory_space<semaphore_mem>>)
    %dma_start3A_28 = arith.constant 1 : i32
    %dma_start3A_29 = arith.constant 1 : i32
    %dma_start3A_30 = arith.constant 0 : i32
    %dma_start3A_31 = tpu.memref_slice %arg6[%dma_start3A_29, %dma_start3A_30] : memref<3x10475xf32, #tpu.memory_space<vmem>> -> memref<1x10475xf32, #tpu.memory_space<vmem>>
    %dma_start3A_32 = tpu.memref_squeeze %dma_start3A_31 : memref<1x10475xf32, #tpu.memory_space<vmem>> -> memref<10475xf32, #tpu.memory_space<vmem>>
    %dma_start3A_33 = arith.constant 0 : i32
    %dma_start3A_34 = tpu.memref_slice %arg2[%dma_start3A_28, %add3A, %dma_start3A_33] : memref<3x32x10475xf32, #tpu.memory_space<hbm>> -> memref<1x1x10475xf32, #tpu.memory_space<hbm>>
    %dma_start3A_35 = tpu.memref_squeeze %dma_start3A_34 : memref<1x1x10475xf32, #tpu.memory_space<hbm>> -> memref<10475xf32, #tpu.memory_space<hbm>>
    %dma_start3A_36 = arith.constant 0 : i32
    %dma_start3A_37 = tpu.memref_slice %arg6[%dma_start3A_29, %dma_start3A_36] : memref<3x10475xf32, #tpu.memory_space<vmem>> -> memref<1x10475xf32, #tpu.memory_space<vmem>>
    %dma_start3A_38 = tpu.memref_squeeze %dma_start3A_37 : memref<1x10475xf32, #tpu.memory_space<vmem>> -> memref<10475xf32, #tpu.memory_space<vmem>>
    %dma_start3A_39 = arith.constant 0 : i32
    %dma_start3A_40 = tpu.memref_slice %arg2[%dma_start3A_28, %add3A, %dma_start3A_39] : memref<3x32x10475xf32, #tpu.memory_space<hbm>> -> memref<1x1x10475xf32, #tpu.memory_space<hbm>>
    %dma_start3A_41 = tpu.memref_squeeze %dma_start3A_40 : memref<1x1x10475xf32, #tpu.memory_space<hbm>> -> memref<10475xf32, #tpu.memory_space<hbm>>
    tpu.enqueue_dma source(%dma_start3A_41 : memref<10475xf32, #tpu.memory_space<hbm>>) target(%dma_start3A_38 : memref<10475xf32, #tpu.memory_space<vmem>>) target_semaphore(%arg10 : memref<!tpu.dma_semaphore, #tpu.memory_space<semaphore_mem>>)
    %dma_start3A_42 = arith.constant 1 : i32
    %dma_start3A_43 = arith.constant 1 : i32
    %dma_start3A_44 = arith.constant 0 : i32
    %dma_start3A_45 = tpu.memref_slice %arg7[%dma_start3A_43, %dma_start3A_44] : memref<3x10475xf32, #tpu.memory_space<vmem>> -> memref<1x10475xf32, #tpu.memory_space<vmem>>
    %dma_start3A_46 = tpu.memref_squeeze %dma_start3A_45 : memref<1x10475xf32, #tpu.memory_space<vmem>> -> memref<10475xf32, #tpu.memory_space<vmem>>
    %dma_start3A_47 = arith.constant 0 : i32
    %dma_start3A_48 = tpu.memref_slice %arg3[%dma_start3A_42, %add3A, %dma_start3A_47] : memref<3x32x10475xf32, #tpu.memory_space<hbm>> -> memref<1x1x10475xf32, #tpu.memory_space<hbm>>
    %dma_start3A_49 = tpu.memref_squeeze %dma_start3A_48 : memref<1x1x10475xf32, #tpu.memory_space<hbm>> -> memref<10475xf32, #tpu.memory_space<hbm>>
    %dma_start3A_50 = arith.constant 0 : i32
    %dma_start3A_51 = tpu.memref_slice %arg7[%dma_start3A_43, %dma_start3A_50] : memref<3x10475xf32, #tpu.memory_space<vmem>> -> memref<1x10475xf32, #tpu.memory_space<vmem>>
    %dma_start3A_52 = tpu.memref_squeeze %dma_start3A_51 : memref<1x10475xf32, #tpu.memory_space<vmem>> -> memref<10475xf32, #tpu.memory_space<vmem>>
    %dma_start3A_53 = arith.constant 0 : i32
    %dma_start3A_54 = tpu.memref_slice %arg3[%dma_start3A_42, %add3A, %dma_start3A_53] : memref<3x32x10475xf32, #tpu.memory_space<hbm>> -> memref<1x1x10475xf32, #tpu.memory_space<hbm>>
    %dma_start3A_55 = tpu.memref_squeeze %dma_start3A_54 : memref<1x1x10475xf32, #tpu.memory_space<hbm>> -> memref<10475xf32, #tpu.memory_space<hbm>>
    tpu.enqueue_dma source(%dma_start3A_55 : memref<10475xf32, #tpu.memory_space<hbm>>) target(%dma_start3A_52 : memref<10475xf32, #tpu.memory_space<vmem>>) target_semaphore(%arg11 : memref<!tpu.dma_semaphore, #tpu.memory_space<semaphore_mem>>)
    %dma_start3A_56 = arith.constant 2 : i32
    %dma_start3A_57 = arith.constant 2 : i32
    %dma_start3A_58 = arith.constant 0 : i32
    %dma_start3A_59 = tpu.memref_slice %arg6[%dma_start3A_57, %dma_start3A_58] : memref<3x10475xf32, #tpu.memory_space<vmem>> -> memref<1x10475xf32, #tpu.memory_space<vmem>>
    %dma_start3A_60 = tpu.memref_squeeze %dma_start3A_59 : memref<1x10475xf32, #tpu.memory_space<vmem>> -> memref<10475xf32, #tpu.memory_space<vmem>>
    %dma_start3A_61 = arith.constant 0 : i32
    %dma_start3A_62 = tpu.memref_slice %arg2[%dma_start3A_56, %add3A, %dma_start3A_61] : memref<3x32x10475xf32, #tpu.memory_space<hbm>> -> memref<1x1x10475xf32, #tpu.memory_space<hbm>>
    %dma_start3A_63 = tpu.memref_squeeze %dma_start3A_62 : memref<1x1x10475xf32, #tpu.memory_space<hbm>> -> memref<10475xf32, #tpu.memory_space<hbm>>
    %dma_start3A_64 = arith.constant 0 : i32
    %dma_start3A_65 = tpu.memref_slice %arg6[%dma_start3A_57, %dma_start3A_64] : memref<3x10475xf32, #tpu.memory_space<vmem>> -> memref<1x10475xf32, #tpu.memory_space<vmem>>
    %dma_start3A_66 = tpu.memref_squeeze %dma_start3A_65 : memref<1x10475xf32, #tpu.memory_space<vmem>> -> memref<10475xf32, #tpu.memory_space<vmem>>
    %dma_start3A_67 = arith.constant 0 : i32
    %dma_start3A_68 = tpu.memref_slice %arg2[%dma_start3A_56, %add3A, %dma_start3A_67] : memref<3x32x10475xf32, #tpu.memory_space<hbm>> -> memref<1x1x10475xf32, #tpu.memory_space<hbm>>
    %dma_start3A_69 = tpu.memref_squeeze %dma_start3A_68 : memref<1x1x10475xf32, #tpu.memory_space<hbm>> -> memref<10475xf32, #tpu.memory_space<hbm>>
    tpu.enqueue_dma source(%dma_start3A_69 : memref<10475xf32, #tpu.memory_space<hbm>>) target(%dma_start3A_66 : memref<10475xf32, #tpu.memory_space<vmem>>) target_semaphore(%arg10 : memref<!tpu.dma_semaphore, #tpu.memory_space<semaphore_mem>>)
    %dma_start3A_70 = arith.constant 2 : i32
    %dma_start3A_71 = arith.constant 2 : i32
    %dma_start3A_72 = arith.constant 0 : i32
    %dma_start3A_73 = tpu.memref_slice %arg7[%dma_start3A_71, %dma_start3A_72] : memref<3x10475xf32, #tpu.memory_space<vmem>> -> memref<1x10475xf32, #tpu.memory_space<vmem>>
    %dma_start3A_74 = tpu.memref_squeeze %dma_start3A_73 : memref<1x10475xf32, #tpu.memory_space<vmem>> -> memref<10475xf32, #tpu.memory_space<vmem>>
    %dma_start3A_75 = arith.constant 0 : i32
    %dma_start3A_76 = tpu.memref_slice %arg3[%dma_start3A_70, %add3A, %dma_start3A_75] : memref<3x32x10475xf32, #tpu.memory_space<hbm>> -> memref<1x1x10475xf32, #tpu.memory_space<hbm>>
    %dma_start3A_77 = tpu.memref_squeeze %dma_start3A_76 : memref<1x1x10475xf32, #tpu.memory_space<hbm>> -> memref<10475xf32, #tpu.memory_space<hbm>>
    %dma_start3A_78 = arith.constant 0 : i32
    %dma_start3A_79 = tpu.memref_slice %arg7[%dma_start3A_71, %dma_start3A_78] : memref<3x10475xf32, #tpu.memory_space<vmem>> -> memref<1x10475xf32, #tpu.memory_space<vmem>>
    %dma_start3A_80 = tpu.memref_squeeze %dma_start3A_79 : memref<1x10475xf32, #tpu.memory_space<vmem>> -> memref<10475xf32, #tpu.memory_space<vmem>>
    %dma_start3A_81 = arith.constant 0 : i32
    %dma_start3A_82 = tpu.memref_slice %arg3[%dma_start3A_70, %add3A, %dma_start3A_81] : memref<3x32x10475xf32, #tpu.memory_space<hbm>> -> memref<1x1x10475xf32, #tpu.memory_space<hbm>>
    %dma_start3A_83 = tpu.memref_squeeze %dma_start3A_82 : memref<1x1x10475xf32, #tpu.memory_space<hbm>> -> memref<10475xf32, #tpu.memory_space<hbm>>
    tpu.enqueue_dma source(%dma_start3A_83 : memref<10475xf32, #tpu.memory_space<hbm>>) target(%dma_start3A_80 : memref<10475xf32, #tpu.memory_space<vmem>>) target_semaphore(%arg11 : memref<!tpu.dma_semaphore, #tpu.memory_space<semaphore_mem>>)
    %dma_start3A_84 = arith.constant 0 : i32
    %dma_start3A_85 = arith.constant 0 : i32
    %dma_start3A_86 = arith.constant 0 : i32
    %dma_start3A_87 = arith.constant 0 : i32
    %dma_start3A_88 = arith.constant 0 : i32
    %dma_start3A_89 = tpu.memref_slice %arg8[%dma_start3A_85, %dma_start3A_87, %dma_start3A_88] : memref<2x4x1024xi32, #tpu.memory_space<vmem>> -> memref<1x4x1024xi32, #tpu.memory_space<vmem>>
    %dma_start3A_90 = tpu.memref_squeeze %dma_start3A_89 : memref<1x4x1024xi32, #tpu.memory_space<vmem>> -> memref<4x1024xi32, #tpu.memory_space<vmem>>
    %dma_start3A_91 = arith.constant 0 : i32
    %dma_start3A_92 = arith.constant 0 : i32
    %dma_start3A_93 = tpu.memref_slice %arg4[%dma_start3A_84, %dma_start3A_91, %dma_start3A_92] : memref<21x4x1024xi32, #tpu.memory_space<hbm>> -> memref<1x4x1024xi32, #tpu.memory_space<hbm>>
    %dma_start3A_94 = tpu.memref_squeeze %dma_start3A_93 : memref<1x4x1024xi32, #tpu.memory_space<hbm>> -> memref<4x1024xi32, #tpu.memory_space<hbm>>
    %dma_start3A_95 = tpu.memref_slice %arg12[%dma_start3A_86] : memref<2x!tpu.dma_semaphore, #tpu.memory_space<semaphore_mem>> -> memref<1x!tpu.dma_semaphore, #tpu.memory_space<semaphore_mem>>
    %dma_start3A_96 = tpu.memref_squeeze %dma_start3A_95 : memref<1x!tpu.dma_semaphore, #tpu.memory_space<semaphore_mem>> -> memref<!tpu.dma_semaphore, #tpu.memory_space<semaphore_mem>>
    %dma_start3A_97 = arith.constant 0 : i32
    %dma_start3A_98 = arith.constant 0 : i32
    %dma_start3A_99 = tpu.memref_slice %arg8[%dma_start3A_85, %dma_start3A_97, %dma_start3A_98] : memref<2x4x1024xi32, #tpu.memory_space<vmem>> -> memref<1x4x1024xi32, #tpu.memory_space<vmem>>
    %dma_start3A_100 = tpu.memref_squeeze %dma_start3A_99 : memref<1x4x1024xi32, #tpu.memory_space<vmem>> -> memref<4x1024xi32, #tpu.memory_space<vmem>>
    %dma_start3A_101 = arith.constant 0 : i32
    %dma_start3A_102 = arith.constant 0 : i32
    %dma_start3A_103 = tpu.memref_slice %arg4[%dma_start3A_84, %dma_start3A_101, %dma_start3A_102] : memref<21x4x1024xi32, #tpu.memory_space<hbm>> -> memref<1x4x1024xi32, #tpu.memory_space<hbm>>
    %dma_start3A_104 = tpu.memref_squeeze %dma_start3A_103 : memref<1x4x1024xi32, #tpu.memory_space<hbm>> -> memref<4x1024xi32, #tpu.memory_space<hbm>>
    tpu.enqueue_dma source(%dma_start3A_104 : memref<4x1024xi32, #tpu.memory_space<hbm>>) target(%dma_start3A_100 : memref<4x1024xi32, #tpu.memory_space<vmem>>) target_semaphore(%dma_start3A_96 : memref<!tpu.dma_semaphore, #tpu.memory_space<semaphore_mem>>)
    %dma_wait3A = arith.constant 0 : i32
    %dma_wait3A_105 = arith.constant 0 : i32
    %dma_wait3A_106 = arith.constant 0 : i32
    %dma_wait3A_107 = tpu.memref_slice %arg6[%dma_wait3A_105, %dma_wait3A_106] : memref<3x10475xf32, #tpu.memory_space<vmem>> -> memref<1x10475xf32, #tpu.memory_space<vmem>>
    %dma_wait3A_108 = tpu.memref_squeeze %dma_wait3A_107 : memref<1x10475xf32, #tpu.memory_space<vmem>> -> memref<10475xf32, #tpu.memory_space<vmem>>
    %dma_wait3A_109 = arith.constant 0 : i32
    %dma_wait3A_110 = tpu.memref_slice %arg2[%dma_wait3A, %add3A, %dma_wait3A_109] : memref<3x32x10475xf32, #tpu.memory_space<hbm>> -> memref<1x1x10475xf32, #tpu.memory_space<hbm>>
    %dma_wait3A_111 = tpu.memref_squeeze %dma_wait3A_110 : memref<1x1x10475xf32, #tpu.memory_space<hbm>> -> memref<10475xf32, #tpu.memory_space<hbm>>
    %dma_wait3A_112 = arith.constant 0 : i32
    %dma_wait3A_113 = tpu.memref_slice %arg6[%dma_wait3A_105, %dma_wait3A_112] : memref<3x10475xf32, #tpu.memory_space<vmem>> -> memref<1x10475xf32, #tpu.memory_space<vmem>>
    %dma_wait3A_114 = tpu.memref_squeeze %dma_wait3A_113 : memref<1x10475xf32, #tpu.memory_space<vmem>> -> memref<10475xf32, #tpu.memory_space<vmem>>
    %dma_wait3A_115 = arith.constant 0 : i32
    %dma_wait3A_116 = tpu.memref_slice %arg2[%dma_wait3A, %add3A, %dma_wait3A_115] : memref<3x32x10475xf32, #tpu.memory_space<hbm>> -> memref<1x1x10475xf32, #tpu.memory_space<hbm>>
    %dma_wait3A_117 = tpu.memref_squeeze %dma_wait3A_116 : memref<1x1x10475xf32, #tpu.memory_space<hbm>> -> memref<10475xf32, #tpu.memory_space<hbm>>
    tpu.wait_dma2 semaphore(%arg10 : memref<!tpu.dma_semaphore, #tpu.memory_space<semaphore_mem>>) src(%dma_wait3A_117 : memref<10475xf32, #tpu.memory_space<hbm>>) dst(%dma_wait3A_114 : memref<10475xf32, #tpu.memory_space<vmem>>)
    %dma_wait3A_118 = arith.constant 0 : i32
    %dma_wait3A_119 = arith.constant 0 : i32
    %dma_wait3A_120 = arith.constant 0 : i32
    %dma_wait3A_121 = tpu.memref_slice %arg7[%dma_wait3A_119, %dma_wait3A_120] : memref<3x10475xf32, #tpu.memory_space<vmem>> -> memref<1x10475xf32, #tpu.memory_space<vmem>>
    %dma_wait3A_122 = tpu.memref_squeeze %dma_wait3A_121 : memref<1x10475xf32, #tpu.memory_space<vmem>> -> memref<10475xf32, #tpu.memory_space<vmem>>
    %dma_wait3A_123 = arith.constant 0 : i32
    %dma_wait3A_124 = tpu.memref_slice %arg3[%dma_wait3A_118, %add3A, %dma_wait3A_123] : memref<3x32x10475xf32, #tpu.memory_space<hbm>> -> memref<1x1x10475xf32, #tpu.memory_space<hbm>>
    %dma_wait3A_125 = tpu.memref_squeeze %dma_wait3A_124 : memref<1x1x10475xf32, #tpu.memory_space<hbm>> -> memref<10475xf32, #tpu.memory_space<hbm>>
    %dma_wait3A_126 = arith.constant 0 : i32
    %dma_wait3A_127 = tpu.memref_slice %arg7[%dma_wait3A_119, %dma_wait3A_126] : memref<3x10475xf32, #tpu.memory_space<vmem>> -> memref<1x10475xf32, #tpu.memory_space<vmem>>
    %dma_wait3A_128 = tpu.memref_squeeze %dma_wait3A_127 : memref<1x10475xf32, #tpu.memory_space<vmem>> -> memref<10475xf32, #tpu.memory_space<vmem>>
    %dma_wait3A_129 = arith.constant 0 : i32
    %dma_wait3A_130 = tpu.memref_slice %arg3[%dma_wait3A_118, %add3A, %dma_wait3A_129] : memref<3x32x10475xf32, #tpu.memory_space<hbm>> -> memref<1x1x10475xf32, #tpu.memory_space<hbm>>
    %dma_wait3A_131 = tpu.memref_squeeze %dma_wait3A_130 : memref<1x1x10475xf32, #tpu.memory_space<hbm>> -> memref<10475xf32, #tpu.memory_space<hbm>>
    tpu.wait_dma2 semaphore(%arg11 : memref<!tpu.dma_semaphore, #tpu.memory_space<semaphore_mem>>) src(%dma_wait3A_131 : memref<10475xf32, #tpu.memory_space<hbm>>) dst(%dma_wait3A_128 : memref<10475xf32, #tpu.memory_space<vmem>>)
    %dma_wait3A_132 = arith.constant 1 : i32
    %dma_wait3A_133 = arith.constant 1 : i32
    %dma_wait3A_134 = arith.constant 0 : i32
    %dma_wait3A_135 = tpu.memref_slice %arg6[%dma_wait3A_133, %dma_wait3A_134] : memref<3x10475xf32, #tpu.memory_space<vmem>> -> memref<1x10475xf32, #tpu.memory_space<vmem>>
    %dma_wait3A_136 = tpu.memref_squeeze %dma_wait3A_135 : memref<1x10475xf32, #tpu.memory_space<vmem>> -> memref<10475xf32, #tpu.memory_space<vmem>>
    %dma_wait3A_137 = arith.constant 0 : i32
    %dma_wait3A_138 = tpu.memref_slice %arg2[%dma_wait3A_132, %add3A, %dma_wait3A_137] : memref<3x32x10475xf32, #tpu.memory_space<hbm>> -> memref<1x1x10475xf32, #tpu.memory_space<hbm>>
    %dma_wait3A_139 = tpu.memref_squeeze %dma_wait3A_138 : memref<1x1x10475xf32, #tpu.memory_space<hbm>> -> memref<10475xf32, #tpu.memory_space<hbm>>
    %dma_wait3A_140 = arith.constant 0 : i32
    %dma_wait3A_141 = tpu.memref_slice %arg6[%dma_wait3A_133, %dma_wait3A_140] : memref<3x10475xf32, #tpu.memory_space<vmem>> -> memref<1x10475xf32, #tpu.memory_space<vmem>>
    %dma_wait3A_142 = tpu.memref_squeeze %dma_wait3A_141 : memref<1x10475xf32, #tpu.memory_space<vmem>> -> memref<10475xf32, #tpu.memory_space<vmem>>
    %dma_wait3A_143 = arith.constant 0 : i32
    %dma_wait3A_144 = tpu.memref_slice %arg2[%dma_wait3A_132, %add3A, %dma_wait3A_143] : memref<3x32x10475xf32, #tpu.memory_space<hbm>> -> memref<1x1x10475xf32, #tpu.memory_space<hbm>>
    %dma_wait3A_145 = tpu.memref_squeeze %dma_wait3A_144 : memref<1x1x10475xf32, #tpu.memory_space<hbm>> -> memref<10475xf32, #tpu.memory_space<hbm>>
    tpu.wait_dma2 semaphore(%arg10 : memref<!tpu.dma_semaphore, #tpu.memory_space<semaphore_mem>>) src(%dma_wait3A_145 : memref<10475xf32, #tpu.memory_space<hbm>>) dst(%dma_wait3A_142 : memref<10475xf32, #tpu.memory_space<vmem>>)
    %dma_wait3A_146 = arith.constant 1 : i32
    %dma_wait3A_147 = arith.constant 1 : i32
    %dma_wait3A_148 = arith.constant 0 : i32
    %dma_wait3A_149 = tpu.memref_slice %arg7[%dma_wait3A_147, %dma_wait3A_148] : memref<3x10475xf32, #tpu.memory_space<vmem>> -> memref<1x10475xf32, #tpu.memory_space<vmem>>
    %dma_wait3A_150 = tpu.memref_squeeze %dma_wait3A_149 : memref<1x10475xf32, #tpu.memory_space<vmem>> -> memref<10475xf32, #tpu.memory_space<vmem>>
    %dma_wait3A_151 = arith.constant 0 : i32
    %dma_wait3A_152 = tpu.memref_slice %arg3[%dma_wait3A_146, %add3A, %dma_wait3A_151] : memref<3x32x10475xf32, #tpu.memory_space<hbm>> -> memref<1x1x10475xf32, #tpu.memory_space<hbm>>
    %dma_wait3A_153 = tpu.memref_squeeze %dma_wait3A_152 : memref<1x1x10475xf32, #tpu.memory_space<hbm>> -> memref<10475xf32, #tpu.memory_space<hbm>>
    %dma_wait3A_154 = arith.constant 0 : i32
    %dma_wait3A_155 = tpu.memref_slice %arg7[%dma_wait3A_147, %dma_wait3A_154] : memref<3x10475xf32, #tpu.memory_space<vmem>> -> memref<1x10475xf32, #tpu.memory_space<vmem>>
    %dma_wait3A_156 = tpu.memref_squeeze %dma_wait3A_155 : memref<1x10475xf32, #tpu.memory_space<vmem>> -> memref<10475xf32, #tpu.memory_space<vmem>>
    %dma_wait3A_157 = arith.constant 0 : i32
    %dma_wait3A_158 = tpu.memref_slice %arg3[%dma_wait3A_146, %add3A, %dma_wait3A_157] : memref<3x32x10475xf32, #tpu.memory_space<hbm>> -> memref<1x1x10475xf32, #tpu.memory_space<hbm>>
    %dma_wait3A_159 = tpu.memref_squeeze %dma_wait3A_158 : memref<1x1x10475xf32, #tpu.memory_space<hbm>> -> memref<10475xf32, #tpu.memory_space<hbm>>
    tpu.wait_dma2 semaphore(%arg11 : memref<!tpu.dma_semaphore, #tpu.memory_space<semaphore_mem>>) src(%dma_wait3A_159 : memref<10475xf32, #tpu.memory_space<hbm>>) dst(%dma_wait3A_156 : memref<10475xf32, #tpu.memory_space<vmem>>)
    %dma_wait3A_160 = arith.constant 2 : i32
    %dma_wait3A_161 = arith.constant 2 : i32
    %dma_wait3A_162 = arith.constant 0 : i32
    %dma_wait3A_163 = tpu.memref_slice %arg6[%dma_wait3A_161, %dma_wait3A_162] : memref<3x10475xf32, #tpu.memory_space<vmem>> -> memref<1x10475xf32, #tpu.memory_space<vmem>>
    %dma_wait3A_164 = tpu.memref_squeeze %dma_wait3A_163 : memref<1x10475xf32, #tpu.memory_space<vmem>> -> memref<10475xf32, #tpu.memory_space<vmem>>
    %dma_wait3A_165 = arith.constant 0 : i32
    %dma_wait3A_166 = tpu.memref_slice %arg2[%dma_wait3A_160, %add3A, %dma_wait3A_165] : memref<3x32x10475xf32, #tpu.memory_space<hbm>> -> memref<1x1x10475xf32, #tpu.memory_space<hbm>>
    %dma_wait3A_167 = tpu.memref_squeeze %dma_wait3A_166 : memref<1x1x10475xf32, #tpu.memory_space<hbm>> -> memref<10475xf32, #tpu.memory_space<hbm>>
    %dma_wait3A_168 = arith.constant 0 : i32
    %dma_wait3A_169 = tpu.memref_slice %arg6[%dma_wait3A_161, %dma_wait3A_168] : memref<3x10475xf32, #tpu.memory_space<vmem>> -> memref<1x10475xf32, #tpu.memory_space<vmem>>
    %dma_wait3A_170 = tpu.memref_squeeze %dma_wait3A_169 : memref<1x10475xf32, #tpu.memory_space<vmem>> -> memref<10475xf32, #tpu.memory_space<vmem>>
    %dma_wait3A_171 = arith.constant 0 : i32
    %dma_wait3A_172 = tpu.memref_slice %arg2[%dma_wait3A_160, %add3A, %dma_wait3A_171] : memref<3x32x10475xf32, #tpu.memory_space<hbm>> -> memref<1x1x10475xf32, #tpu.memory_space<hbm>>
    %dma_wait3A_173 = tpu.memref_squeeze %dma_wait3A_172 : memref<1x1x10475xf32, #tpu.memory_space<hbm>> -> memref<10475xf32, #tpu.memory_space<hbm>>
    tpu.wait_dma2 semaphore(%arg10 : memref<!tpu.dma_semaphore, #tpu.memory_space<semaphore_mem>>) src(%dma_wait3A_173 : memref<10475xf32, #tpu.memory_space<hbm>>) dst(%dma_wait3A_170 : memref<10475xf32, #tpu.memory_space<vmem>>)
    %dma_wait3A_174 = arith.constant 2 : i32
    %dma_wait3A_175 = arith.constant 2 : i32
    %dma_wait3A_176 = arith.constant 0 : i32
    %dma_wait3A_177 = tpu.memref_slice %arg7[%dma_wait3A_175, %dma_wait3A_176] : memref<3x10475xf32, #tpu.memory_space<vmem>> -> memref<1x10475xf32, #tpu.memory_space<vmem>>
    %dma_wait3A_178 = tpu.memref_squeeze %dma_wait3A_177 : memref<1x10475xf32, #tpu.memory_space<vmem>> -> memref<10475xf32, #tpu.memory_space<vmem>>
    %dma_wait3A_179 = arith.constant 0 : i32
    %dma_wait3A_180 = tpu.memref_slice %arg3[%dma_wait3A_174, %add3A, %dma_wait3A_179] : memref<3x32x10475xf32, #tpu.memory_space<hbm>> -> memref<1x1x10475xf32, #tpu.memory_space<hbm>>
    %dma_wait3A_181 = tpu.memref_squeeze %dma_wait3A_180 : memref<1x1x10475xf32, #tpu.memory_space<hbm>> -> memref<10475xf32, #tpu.memory_space<hbm>>
    %dma_wait3A_182 = arith.constant 0 : i32
    %dma_wait3A_183 = tpu.memref_slice %arg7[%dma_wait3A_175, %dma_wait3A_182] : memref<3x10475xf32, #tpu.memory_space<vmem>> -> memref<1x10475xf32, #tpu.memory_space<vmem>>
    %dma_wait3A_184 = tpu.memref_squeeze %dma_wait3A_183 : memref<1x10475xf32, #tpu.memory_space<vmem>> -> memref<10475xf32, #tpu.memory_space<vmem>>
    %dma_wait3A_185 = arith.constant 0 : i32
    %dma_wait3A_186 = tpu.memref_slice %arg3[%dma_wait3A_174, %add3A, %dma_wait3A_185] : memref<3x32x10475xf32, #tpu.memory_space<hbm>> -> memref<1x1x10475xf32, #tpu.memory_space<hbm>>
    %dma_wait3A_187 = tpu.memref_squeeze %dma_wait3A_186 : memref<1x1x10475xf32, #tpu.memory_space<hbm>> -> memref<10475xf32, #tpu.memory_space<hbm>>
    tpu.wait_dma2 semaphore(%arg11 : memref<!tpu.dma_semaphore, #tpu.memory_space<semaphore_mem>>) src(%dma_wait3A_187 : memref<10475xf32, #tpu.memory_space<hbm>>) dst(%dma_wait3A_184 : memref<10475xf32, #tpu.memory_space<vmem>>)
    %broadcast_in_dim3A = arith.constant 0.000000e+00 : f32
    %broadcast_in_dim3A_188 = vector.broadcast %broadcast_in_dim3A : f32 to vector<16xf32>
    %scan3A = arith.constant 0 : i32
    %scan3A_189 = arith.constant 21 : i32
    %scan3A_190 = arith.addi %scan3A, %scan3A_189 : i32
    %scan3A_191 = arith.constant 1 : i32
    %scan3A_192:4 = scf.for %scan3A_198 = %scan3A to %scan3A_190 step %scan3A_191 iter_args(%scan3A_199 = %broadcast_in_dim3A_188, %scan3A_200 = %broadcast_in_dim3A_188, %scan3A_201 = %broadcast_in_dim3A_188, %scan3A_202 = %broadcast_in_dim3A_188) -> (vector<16xf32>, vector<16xf32>, vector<16xf32>, vector<16xf32>)  : i32 {
      %rem3A = arith.constant 2 : i32
      %rem3A_203 = arith.remsi %scan3A_198, %rem3A : i32
      %sub3A = arith.constant 1 : i32
      %sub3A_204 = arith.subi %sub3A, %rem3A_203 : i32
      %dma_wait3A_205 = arith.constant 0 : i32
      %dma_wait3A_206 = arith.constant 0 : i32
      %dma_wait3A_207 = tpu.memref_slice %arg8[%rem3A_203, %dma_wait3A_205, %dma_wait3A_206] : memref<2x4x1024xi32, #tpu.memory_space<vmem>> -> memref<1x4x1024xi32, #tpu.memory_space<vmem>>
      %dma_wait3A_208 = tpu.memref_squeeze %dma_wait3A_207 : memref<1x4x1024xi32, #tpu.memory_space<vmem>> -> memref<4x1024xi32, #tpu.memory_space<vmem>>
      %dma_wait3A_209 = arith.constant 0 : i32
      %dma_wait3A_210 = arith.constant 0 : i32
      %dma_wait3A_211 = tpu.memref_slice %arg4[%scan3A_198, %dma_wait3A_209, %dma_wait3A_210] : memref<21x4x1024xi32, #tpu.memory_space<hbm>> -> memref<1x4x1024xi32, #tpu.memory_space<hbm>>
      %dma_wait3A_212 = tpu.memref_squeeze %dma_wait3A_211 : memref<1x4x1024xi32, #tpu.memory_space<hbm>> -> memref<4x1024xi32, #tpu.memory_space<hbm>>
      %dma_wait3A_213 = tpu.memref_slice %arg12[%rem3A_203] : memref<2x!tpu.dma_semaphore, #tpu.memory_space<semaphore_mem>> -> memref<1x!tpu.dma_semaphore, #tpu.memory_space<semaphore_mem>>
      %dma_wait3A_214 = tpu.memref_squeeze %dma_wait3A_213 : memref<1x!tpu.dma_semaphore, #tpu.memory_space<semaphore_mem>> -> memref<!tpu.dma_semaphore, #tpu.memory_space<semaphore_mem>>
      %dma_wait3A_215 = arith.constant 0 : i32
      %dma_wait3A_216 = arith.constant 0 : i32
      %dma_wait3A_217 = tpu.memref_slice %arg8[%rem3A_203, %dma_wait3A_215, %dma_wait3A_216] : memref<2x4x1024xi32, #tpu.memory_space<vmem>> -> memref<1x4x1024xi32, #tpu.memory_space<vmem>>
      %dma_wait3A_218 = tpu.memref_squeeze %dma_wait3A_217 : memref<1x4x1024xi32, #tpu.memory_space<vmem>> -> memref<4x1024xi32, #tpu.memory_space<vmem>>
      %dma_wait3A_219 = arith.constant 0 : i32
      %dma_wait3A_220 = arith.constant 0 : i32
      %dma_wait3A_221 = tpu.memref_slice %arg4[%scan3A_198, %dma_wait3A_219, %dma_wait3A_220] : memref<21x4x1024xi32, #tpu.memory_space<hbm>> -> memref<1x4x1024xi32, #tpu.memory_space<hbm>>
      %dma_wait3A_222 = tpu.memref_squeeze %dma_wait3A_221 : memref<1x4x1024xi32, #tpu.memory_space<hbm>> -> memref<4x1024xi32, #tpu.memory_space<hbm>>
      tpu.wait_dma2 semaphore(%dma_wait3A_214 : memref<!tpu.dma_semaphore, #tpu.memory_space<semaphore_mem>>) src(%dma_wait3A_222 : memref<4x1024xi32, #tpu.memory_space<hbm>>) dst(%dma_wait3A_218 : memref<4x1024xi32, #tpu.memory_space<vmem>>)
      %add3A_223 = arith.constant 1 : i32
      %add3A_224 = arith.addi %scan3A_198, %add3A_223 : i32
      %lt3A = arith.constant 21 : i32
      %lt3A_225 = arith.cmpi slt, %add3A_224, %lt3A : i32
      %convert_element_type3A = arith.extui %lt3A_225 : i1 to i32
      %cond3A = arith.constant 0 : i32
      %cond3A_226 = arith.cmpi ne, %convert_element_type3A, %cond3A : i32
      scf.if %cond3A_226 {
        %add3A_230 = arith.constant 1 : i32
        %add3A_231 = arith.addi %scan3A_198, %add3A_230 : i32
        %dma_start3A_232 = arith.constant 0 : i32
        %dma_start3A_233 = arith.constant 0 : i32
        %dma_start3A_234 = tpu.memref_slice %arg8[%sub3A_204, %dma_start3A_232, %dma_start3A_233] : memref<2x4x1024xi32, #tpu.memory_space<vmem>> -> memref<1x4x1024xi32, #tpu.memory_space<vmem>>
        %dma_start3A_235 = tpu.memref_squeeze %dma_start3A_234 : memref<1x4x1024xi32, #tpu.memory_space<vmem>> -> memref<4x1024xi32, #tpu.memory_space<vmem>>
        %dma_start3A_236 = arith.constant 0 : i32
        %dma_start3A_237 = arith.constant 0 : i32
        %dma_start3A_238 = tpu.memref_slice %arg4[%add3A_231, %dma_start3A_236, %dma_start3A_237] : memref<21x4x1024xi32, #tpu.memory_space<hbm>> -> memref<1x4x1024xi32, #tpu.memory_space<hbm>>
        %dma_start3A_239 = tpu.memref_squeeze %dma_start3A_238 : memref<1x4x1024xi32, #tpu.memory_space<hbm>> -> memref<4x1024xi32, #tpu.memory_space<hbm>>
        %dma_start3A_240 = tpu.memref_slice %arg12[%sub3A_204] : memref<2x!tpu.dma_semaphore, #tpu.memory_space<semaphore_mem>> -> memref<1x!tpu.dma_semaphore, #tpu.memory_space<semaphore_mem>>
        %dma_start3A_241 = tpu.memref_squeeze %dma_start3A_240 : memref<1x!tpu.dma_semaphore, #tpu.memory_space<semaphore_mem>> -> memref<!tpu.dma_semaphore, #tpu.memory_space<semaphore_mem>>
        %dma_start3A_242 = arith.constant 0 : i32
        %dma_start3A_243 = arith.constant 0 : i32
        %dma_start3A_244 = tpu.memref_slice %arg8[%sub3A_204, %dma_start3A_242, %dma_start3A_243] : memref<2x4x1024xi32, #tpu.memory_space<vmem>> -> memref<1x4x1024xi32, #tpu.memory_space<vmem>>
        %dma_start3A_245 = tpu.memref_squeeze %dma_start3A_244 : memref<1x4x1024xi32, #tpu.memory_space<vmem>> -> memref<4x1024xi32, #tpu.memory_space<vmem>>
        %dma_start3A_246 = arith.constant 0 : i32
        %dma_start3A_247 = arith.constant 0 : i32
        %dma_start3A_248 = tpu.memref_slice %arg4[%add3A_231, %dma_start3A_246, %dma_start3A_247] : memref<21x4x1024xi32, #tpu.memory_space<hbm>> -> memref<1x4x1024xi32, #tpu.memory_space<hbm>>
        %dma_start3A_249 = tpu.memref_squeeze %dma_start3A_248 : memref<1x4x1024xi32, #tpu.memory_space<hbm>> -> memref<4x1024xi32, #tpu.memory_space<hbm>>
        tpu.enqueue_dma source(%dma_start3A_249 : memref<4x1024xi32, #tpu.memory_space<hbm>>) target(%dma_start3A_245 : memref<4x1024xi32, #tpu.memory_space<vmem>>) target_semaphore(%dma_start3A_241 : memref<!tpu.dma_semaphore, #tpu.memory_space<semaphore_mem>>)
      } else {
      }
      %parallel_loop3A = arith.constant 0 : i32
      %parallel_loop3A_227 = arith.constant 64 : i32
      %parallel_loop3A_228 = arith.constant 1 : i32
      %parallel_loop3A_229:4 = scf.for %parallel_loop3A_230 = %parallel_loop3A to %parallel_loop3A_227 step %parallel_loop3A_228 iter_args(%parallel_loop3A_231 = %scan3A_199, %parallel_loop3A_232 = %scan3A_200, %parallel_loop3A_233 = %scan3A_201, %parallel_loop3A_234 = %scan3A_202) -> (vector<16xf32>, vector<16xf32>, vector<16xf32>, vector<16xf32>)  : i32 {
        %parallel_loop3A_235 = arith.constant 16 : i32
        %parallel_loop3A_236 = arith.muli %parallel_loop3A_230, %parallel_loop3A_235 : i32
        %parallel_loop3A_237 = arith.constant 0 : i32
        %parallel_loop3A_238 = arith.index_cast %rem3A_203 : i32 to index
        %parallel_loop3A_239 = arith.index_cast %parallel_loop3A_237 : i32 to index
        %parallel_loop3A_240 = arith.index_cast %parallel_loop3A_236 : i32 to index
        %parallel_loop3A_241 = tpu.vector_load %arg8[%parallel_loop3A_238, %parallel_loop3A_239, %parallel_loop3A_240] {strides = array<i32>} : memref<2x4x1024xi32, #tpu.memory_space<vmem>>, vector<16xi32>,
        %parallel_loop3A_242 = arith.constant 1 : i32
        %parallel_loop3A_243 = arith.index_cast %rem3A_203 : i32 to index
        %parallel_loop3A_244 = arith.index_cast %parallel_loop3A_242 : i32 to index
        %parallel_loop3A_245 = arith.index_cast %parallel_loop3A_236 : i32 to index
        %parallel_loop3A_246 = tpu.vector_load %arg8[%parallel_loop3A_243, %parallel_loop3A_244, %parallel_loop3A_245] {strides = array<i32>} : memref<2x4x1024xi32, #tpu.memory_space<vmem>>, vector<16xi32>,
        %parallel_loop3A_247 = arith.constant 2 : i32
        %parallel_loop3A_248 = arith.index_cast %rem3A_203 : i32 to index
        %parallel_loop3A_249 = arith.index_cast %parallel_loop3A_247 : i32 to index
        %parallel_loop3A_250 = arith.index_cast %parallel_loop3A_236 : i32 to index
        %parallel_loop3A_251 = tpu.vector_load %arg8[%parallel_loop3A_248, %parallel_loop3A_249, %parallel_loop3A_250] {strides = array<i32>} : memref<2x4x1024xi32, #tpu.memory_space<vmem>>, vector<16xi32>,
        %parallel_loop3A_252 = arith.constant 3 : i32
        %parallel_loop3A_253 = arith.index_cast %rem3A_203 : i32 to index
        %parallel_loop3A_254 = arith.index_cast %parallel_loop3A_252 : i32 to index
        %parallel_loop3A_255 = arith.index_cast %parallel_loop3A_236 : i32 to index
        %parallel_loop3A_256 = tpu.vector_load %arg8[%parallel_loop3A_253, %parallel_loop3A_254, %parallel_loop3A_255] {strides = array<i32>} : memref<2x4x1024xi32, #tpu.memory_space<vmem>>, vector<16xi32>,
        %parallel_loop3A_257 = arith.constant 0 : i32
        %parallel_loop3A_258 = arith.constant 0 : i32
        %parallel_loop3A_259 = tpu.memref_slice %arg6[%parallel_loop3A_257, %parallel_loop3A_258] : memref<3x10475xf32, #tpu.memory_space<vmem>> -> memref<1x10475xf32, #tpu.memory_space<vmem>>
        %parallel_loop3A_260 = tpu.memref_squeeze %parallel_loop3A_259 : memref<1x10475xf32, #tpu.memory_space<vmem>> -> memref<10475xf32, #tpu.memory_space<vmem>>
        %parallel_loop3A_261 = tpu.vector_load_idx %parallel_loop3A_260[%parallel_loop3A_246] : memref<10475xf32, #tpu.memory_space<vmem>>[vector<16xi32>], vector<16xf32>,
        %parallel_loop3A_262 = arith.constant 0 : i32
        %parallel_loop3A_263 = arith.constant 0 : i32
        %parallel_loop3A_264 = tpu.memref_slice %arg6[%parallel_loop3A_262, %parallel_loop3A_263] : memref<3x10475xf32, #tpu.memory_space<vmem>> -> memref<1x10475xf32, #tpu.memory_space<vmem>>
        %parallel_loop3A_265 = tpu.memref_squeeze %parallel_loop3A_264 : memref<1x10475xf32, #tpu.memory_space<vmem>> -> memref<10475xf32, #tpu.memory_space<vmem>>
        %parallel_loop3A_266 = tpu.vector_load_idx %parallel_loop3A_265[%parallel_loop3A_241] : memref<10475xf32, #tpu.memory_space<vmem>>[vector<16xi32>], vector<16xf32>,
        %parallel_loop3A_267 = arith.constant 0 : i32
        %parallel_loop3A_268 = arith.constant 0 : i32
        %parallel_loop3A_269 = tpu.memref_slice %arg7[%parallel_loop3A_267, %parallel_loop3A_268] : memref<3x10475xf32, #tpu.memory_space<vmem>> -> memref<1x10475xf32, #tpu.memory_space<vmem>>
        %parallel_loop3A_270 = tpu.memref_squeeze %parallel_loop3A_269 : memref<1x10475xf32, #tpu.memory_space<vmem>> -> memref<10475xf32, #tpu.memory_space<vmem>>
        %parallel_loop3A_271 = tpu.vector_load_idx %parallel_loop3A_270[%parallel_loop3A_256] : memref<10475xf32, #tpu.memory_space<vmem>>[vector<16xi32>], vector<16xf32>,
        %parallel_loop3A_272 = arith.constant 0 : i32
        %parallel_loop3A_273 = arith.constant 0 : i32
        %parallel_loop3A_274 = tpu.memref_slice %arg7[%parallel_loop3A_272, %parallel_loop3A_273] : memref<3x10475xf32, #tpu.memory_space<vmem>> -> memref<1x10475xf32, #tpu.memory_space<vmem>>
        %parallel_loop3A_275 = tpu.memref_squeeze %parallel_loop3A_274 : memref<1x10475xf32, #tpu.memory_space<vmem>> -> memref<10475xf32, #tpu.memory_space<vmem>>
        %parallel_loop3A_276 = tpu.vector_load_idx %parallel_loop3A_275[%parallel_loop3A_251] : memref<10475xf32, #tpu.memory_space<vmem>>[vector<16xi32>], vector<16xf32>,
        %parallel_loop3A_277 = arith.subf %parallel_loop3A_261, %parallel_loop3A_266 : vector<16xf32>
        %parallel_loop3A_278 = arith.subf %parallel_loop3A_271, %parallel_loop3A_276 : vector<16xf32>
        %parallel_loop3A_279 = arith.subf %parallel_loop3A_277, %parallel_loop3A_278 : vector<16xf32>
        %parallel_loop3A_280 = arith.mulf %parallel_loop3A_279, %parallel_loop3A_279 : vector<16xf32>
        %parallel_loop3A_281 = arith.constant 1 : i32
        %parallel_loop3A_282 = arith.constant 0 : i32
        %parallel_loop3A_283 = tpu.memref_slice %arg6[%parallel_loop3A_281, %parallel_loop3A_282] : memref<3x10475xf32, #tpu.memory_space<vmem>> -> memref<1x10475xf32, #tpu.memory_space<vmem>>
        %parallel_loop3A_284 = tpu.memref_squeeze %parallel_loop3A_283 : memref<1x10475xf32, #tpu.memory_space<vmem>> -> memref<10475xf32, #tpu.memory_space<vmem>>
        %parallel_loop3A_285 = tpu.vector_load_idx %parallel_loop3A_284[%parallel_loop3A_246] : memref<10475xf32, #tpu.memory_space<vmem>>[vector<16xi32>], vector<16xf32>,
        %parallel_loop3A_286 = arith.constant 1 : i32
        %parallel_loop3A_287 = arith.constant 0 : i32
        %parallel_loop3A_288 = tpu.memref_slice %arg6[%parallel_loop3A_286, %parallel_loop3A_287] : memref<3x10475xf32, #tpu.memory_space<vmem>> -> memref<1x10475xf32, #tpu.memory_space<vmem>>
        %parallel_loop3A_289 = tpu.memref_squeeze %parallel_loop3A_288 : memref<1x10475xf32, #tpu.memory_space<vmem>> -> memref<10475xf32, #tpu.memory_space<vmem>>
        %parallel_loop3A_290 = tpu.vector_load_idx %parallel_loop3A_289[%parallel_loop3A_241] : memref<10475xf32, #tpu.memory_space<vmem>>[vector<16xi32>], vector<16xf32>,
        %parallel_loop3A_291 = arith.constant 1 : i32
        %parallel_loop3A_292 = arith.constant 0 : i32
        %parallel_loop3A_293 = tpu.memref_slice %arg7[%parallel_loop3A_291, %parallel_loop3A_292] : memref<3x10475xf32, #tpu.memory_space<vmem>> -> memref<1x10475xf32, #tpu.memory_space<vmem>>
        %parallel_loop3A_294 = tpu.memref_squeeze %parallel_loop3A_293 : memref<1x10475xf32, #tpu.memory_space<vmem>> -> memref<10475xf32, #tpu.memory_space<vmem>>
        %parallel_loop3A_295 = tpu.vector_load_idx %parallel_loop3A_294[%parallel_loop3A_256] : memref<10475xf32, #tpu.memory_space<vmem>>[vector<16xi32>], vector<16xf32>,
        %parallel_loop3A_296 = arith.constant 1 : i32
        %parallel_loop3A_297 = arith.constant 0 : i32
        %parallel_loop3A_298 = tpu.memref_slice %arg7[%parallel_loop3A_296, %parallel_loop3A_297] : memref<3x10475xf32, #tpu.memory_space<vmem>> -> memref<1x10475xf32, #tpu.memory_space<vmem>>
        %parallel_loop3A_299 = tpu.memref_squeeze %parallel_loop3A_298 : memref<1x10475xf32, #tpu.memory_space<vmem>> -> memref<10475xf32, #tpu.memory_space<vmem>>
        %parallel_loop3A_300 = tpu.vector_load_idx %parallel_loop3A_299[%parallel_loop3A_251] : memref<10475xf32, #tpu.memory_space<vmem>>[vector<16xi32>], vector<16xf32>,
        %parallel_loop3A_301 = arith.subf %parallel_loop3A_285, %parallel_loop3A_290 : vector<16xf32>
        %parallel_loop3A_302 = arith.subf %parallel_loop3A_295, %parallel_loop3A_300 : vector<16xf32>
        %parallel_loop3A_303 = arith.subf %parallel_loop3A_301, %parallel_loop3A_302 : vector<16xf32>
        %parallel_loop3A_304 = arith.mulf %parallel_loop3A_303, %parallel_loop3A_303 : vector<16xf32>
        %parallel_loop3A_305 = arith.constant 2 : i32
        %parallel_loop3A_306 = arith.constant 0 : i32
        %parallel_loop3A_307 = tpu.memref_slice %arg6[%parallel_loop3A_305, %parallel_loop3A_306] : memref<3x10475xf32, #tpu.memory_space<vmem>> -> memref<1x10475xf32, #tpu.memory_space<vmem>>
        %parallel_loop3A_308 = tpu.memref_squeeze %parallel_loop3A_307 : memref<1x10475xf32, #tpu.memory_space<vmem>> -> memref<10475xf32, #tpu.memory_space<vmem>>
        %parallel_loop3A_309 = tpu.vector_load_idx %parallel_loop3A_308[%parallel_loop3A_246] : memref<10475xf32, #tpu.memory_space<vmem>>[vector<16xi32>], vector<16xf32>,
        %parallel_loop3A_310 = arith.constant 2 : i32
        %parallel_loop3A_311 = arith.constant 0 : i32
        %parallel_loop3A_312 = tpu.memref_slice %arg6[%parallel_loop3A_310, %parallel_loop3A_311] : memref<3x10475xf32, #tpu.memory_space<vmem>> -> memref<1x10475xf32, #tpu.memory_space<vmem>>
        %parallel_loop3A_313 = tpu.memref_squeeze %parallel_loop3A_312 : memref<1x10475xf32, #tpu.memory_space<vmem>> -> memref<10475xf32, #tpu.memory_space<vmem>>
        %parallel_loop3A_314 = tpu.vector_load_idx %parallel_loop3A_313[%parallel_loop3A_241] : memref<10475xf32, #tpu.memory_space<vmem>>[vector<16xi32>], vector<16xf32>,
        %parallel_loop3A_315 = arith.constant 2 : i32
        %parallel_loop3A_316 = arith.constant 0 : i32
        %parallel_loop3A_317 = tpu.memref_slice %arg7[%parallel_loop3A_315, %parallel_loop3A_316] : memref<3x10475xf32, #tpu.memory_space<vmem>> -> memref<1x10475xf32, #tpu.memory_space<vmem>>
        %parallel_loop3A_318 = tpu.memref_squeeze %parallel_loop3A_317 : memref<1x10475xf32, #tpu.memory_space<vmem>> -> memref<10475xf32, #tpu.memory_space<vmem>>
        %parallel_loop3A_319 = tpu.vector_load_idx %parallel_loop3A_318[%parallel_loop3A_256] : memref<10475xf32, #tpu.memory_space<vmem>>[vector<16xi32>], vector<16xf32>,
        %parallel_loop3A_320 = arith.constant 2 : i32
        %parallel_loop3A_321 = arith.constant 0 : i32
        %parallel_loop3A_322 = tpu.memref_slice %arg7[%parallel_loop3A_320, %parallel_loop3A_321] : memref<3x10475xf32, #tpu.memory_space<vmem>> -> memref<1x10475xf32, #tpu.memory_space<vmem>>
        %parallel_loop3A_323 = tpu.memref_squeeze %parallel_loop3A_322 : memref<1x10475xf32, #tpu.memory_space<vmem>> -> memref<10475xf32, #tpu.memory_space<vmem>>
        %parallel_loop3A_324 = tpu.vector_load_idx %parallel_loop3A_323[%parallel_loop3A_251] : memref<10475xf32, #tpu.memory_space<vmem>>[vector<16xi32>], vector<16xf32>,
        %parallel_loop3A_325 = arith.subf %parallel_loop3A_309, %parallel_loop3A_314 : vector<16xf32>
        %parallel_loop3A_326 = arith.subf %parallel_loop3A_319, %parallel_loop3A_324 : vector<16xf32>
        %parallel_loop3A_327 = arith.subf %parallel_loop3A_325, %parallel_loop3A_326 : vector<16xf32>
        %parallel_loop3A_328 = arith.mulf %parallel_loop3A_327, %parallel_loop3A_327 : vector<16xf32>
        %parallel_loop3A_329 = arith.addf %parallel_loop3A_280, %parallel_loop3A_304 : vector<16xf32>
        %parallel_loop3A_330 = arith.addf %parallel_loop3A_329, %parallel_loop3A_328 : vector<16xf32>
        %parallel_loop3A_331 = arith.addf %parallel_loop3A_231, %parallel_loop3A_330 : vector<16xf32>
        scf.yield %parallel_loop3A_232, %parallel_loop3A_233, %parallel_loop3A_234, %parallel_loop3A_331 : vector<16xf32>, vector<16xf32>, vector<16xf32>, vector<16xf32>
      } {sc.loop_unroll_factor = 4 : i64, sc.parallel_access}
      scf.yield %parallel_loop3A_229#0, %parallel_loop3A_229#1, %parallel_loop3A_229#2, %parallel_loop3A_229#3 : vector<16xf32>, vector<16xf32>, vector<16xf32>, vector<16xf32>
    }
    %scan3A_193 = arith.constant 21 : i32
    %add3A_194 = arith.addf %scan3A_192#0, %scan3A_192#1 : vector<16xf32>
    %add3A_195 = arith.addf %scan3A_192#2, %scan3A_192#3 : vector<16xf32>
    %add3A_196 = arith.addf %add3A_194, %add3A_195 : vector<16xf32>
    %swap3A = arith.constant 0 : index
    %swap3A_197 = tpu.vector_load %arg9[%swap3A] {strides = array<i32>} : memref<16xf32, #tpu.memory_space<vmem>>, vector<16xf32>,
    tpu.vector_store %arg9[%swap3A], %add3A_196 {strides = array<i32>} : memref<16xf32, #tpu.memory_space<vmem>>, vector<16xf32>,
    "tpu.region"() ({
      %run_scoped3A = tpu.sem_alloc : memref<!tpu.dma_semaphore, #tpu.memory_space<semaphore_mem>>
      %dma_start3A_198 = arith.constant 0 : i32
      %dma_start3A_199 = tpu.memref_slice %arg5[%add3A, %dma_start3A_198] : memref<32x16xf32, #tpu.memory_space<hbm>> -> memref<1x16xf32, #tpu.memory_space<hbm>>
      %dma_start3A_200 = tpu.memref_squeeze %dma_start3A_199 : memref<1x16xf32, #tpu.memory_space<hbm>> -> memref<16xf32, #tpu.memory_space<hbm>>
      %dma_start3A_201 = arith.constant 0 : i32
      %dma_start3A_202 = tpu.memref_slice %arg5[%add3A, %dma_start3A_201] : memref<32x16xf32, #tpu.memory_space<hbm>> -> memref<1x16xf32, #tpu.memory_space<hbm>>
      %dma_start3A_203 = tpu.memref_squeeze %dma_start3A_202 : memref<1x16xf32, #tpu.memory_space<hbm>> -> memref<16xf32, #tpu.memory_space<hbm>>
      tpu.enqueue_dma source(%arg9 : memref<16xf32, #tpu.memory_space<vmem>>) target(%dma_start3A_203 : memref<16xf32, #tpu.memory_space<hbm>>) target_semaphore(%run_scoped3A : memref<!tpu.dma_semaphore, #tpu.memory_space<semaphore_mem>>)
      %dma_wait3A_204 = arith.constant 0 : i32
      %dma_wait3A_205 = tpu.memref_slice %arg5[%add3A, %dma_wait3A_204] : memref<32x16xf32, #tpu.memory_space<hbm>> -> memref<1x16xf32, #tpu.memory_space<hbm>>
      %dma_wait3A_206 = tpu.memref_squeeze %dma_wait3A_205 : memref<1x16xf32, #tpu.memory_space<hbm>> -> memref<16xf32, #tpu.memory_space<hbm>>
      %dma_wait3A_207 = arith.constant 0 : i32
      %dma_wait3A_208 = tpu.memref_slice %arg5[%add3A, %dma_wait3A_207] : memref<32x16xf32, #tpu.memory_space<hbm>> -> memref<1x16xf32, #tpu.memory_space<hbm>>
      %dma_wait3A_209 = tpu.memref_squeeze %dma_wait3A_208 : memref<1x16xf32, #tpu.memory_space<hbm>> -> memref<16xf32, #tpu.memory_space<hbm>>
      tpu.wait_dma2 semaphore(%run_scoped3A : memref<!tpu.dma_semaphore, #tpu.memory_space<semaphore_mem>>) src(%arg9 : memref<16xf32, #tpu.memory_space<vmem>>) dst(%dma_wait3A_209 : memref<16xf32, #tpu.memory_space<hbm>>)
      tpu.yield
    }) : () -> ()
    return
  }
}

</mosaic_0001>

<sc_bundles>
// kernel: kernel.3.cloned.1.call-start
scs
__scs_entry_jumppad:
0x0: {  	(pc) =	sbr.rel $0x88, $3  }
0x1: {  	(tag) =	ssettag $0x0;
	lr =	simm.s32 $0x1  }
0x2: {  	[smem:$0x3F9D] =	sst lr;
	_ =	strace $0xD0000000  }
0x3: {  	_ = 	snop  }
0x4: {  	_ = 	snop  }
0x5: {  	_ = 	snop  }
0x6: {  	_ = 	snop  }
0x7: {  	_ = 	snop  }
__scs_overlays_trampoline_lowered:
0x8: {  	[smem:$0x3FAC] =	sst s0  }
0x9: {  	[smem:$0x3FAD] =	sst s1  }
0xa: {  	[smem:$0x3FAE] =	sst s2  }
0xb: {  	[smem:$0x3FAF] =	sst s3  }
0xc: {  	[smem:$0x3FB0] =	sst s4  }
0xd: {  	[smem:$0x3FB1] =	sst s5  }
0xe: {  	[smem:$0x3FB2] =	sst s6  }
0xf: {  	[smem:$0x3FB3] =	sst s7  }
0x10: {  	[smem:$0x3FB4] =	sst s8  }
0x11: {  	[smem:$0x3FB5] =	sst s9;
	s0 =	simm.s32 @!p0 $0x0  }
0x12: {  	s1 =	sld [smem:$0x3F9B];
	s0 =	simm.s32 @p0 $0x1  }
0x13: {  	[smem:$0x3FB6] =	sst s0;
	s0 =	simm.s32 @!p1 $0x0  }
0x14: {  	s2 =	sld [smem:$0x3F9A];
	s0 =	simm.s32 @p1 $0x1  }
0x15: {  	[smem:$0x3FB7] =	sst s0;
	s0 =	simm.s32 @!p2 $0x0  }
0x16: {  	s3 =	sld [smem:$0x3FDB];
	s0 =	simm.s32 @p2 $0x1  }
0x17: {  	s4 =	simm.s32 $0x1BF5;
	[smem:$0x3FB9] =	sst s0  }
0x18: {  	s0 =	sld [smem:$0x3F9C];
	_ =	swait.ge [sflag:s4], $0x0  }
0x19: {  	s7 =	sld [smem:$0x3F9D]  }
0x1a: {  	s8 =	sadd.s32 $0xFFFFE003, lr  }
0x1b: {  	s9 =	sadd.s32 $0xFFFFFEF7, lr;
	s5 =	simm.s32 $0xFFFFFFFF;
	p2 =	slt.u32 s8, $0xFFFFF086  }
0x1c: {  	p1 =	slt.u32 s9, $0xF7A;
	s5 =	simm.s32 @!p2 $0x0  }
0x1d: {  	s5 =	simm.s32 @p1 $0x1;
	p0 =	seq.s32 s7, s2  }
0x1e: {  	s7 =	smul.u32 @!p0 $0xF7A, s2;
	p2 =	seq.s32 @!p0 s5, $0x0  }
0x1f: {  	s9 =	smul.u32 $0xF7A, s1;
	s8 =	simm.s32 @!p0 $0x1BF5;
	p2 =	por !p2, p0  }
0x20: {  	[sflag:s8] =	ssyncset.s32 @!p0 $0xFFFFF086;
	s6 =	sadd.s32 @!p0 s3, s7;
	s7 =	simm.s32 @!p0 $0x108  }
0x21: {  	s3 =	sadd.s32 s3, s9;
	s6 =	sadd.s32 @!p0 $0x88, s6;
	s7 =	simm.s32 @p2 $0x1082  }
0x22: {  	[simem:s7], [sflag:s8] =	dma.local @!p0 [hbm:s6], $0xF7A  }
0x23: {  	s9 =	sor.u32 $0xD0000000, s2;
	s6 =	simm.s32 $0x108;
	_ =	swait.ge @!p0 [sflag:s8], $0x0  }
0x24: {  	s3 =	sadd.s32 $0x88, s3;
	s6 =	simm.s32 @!p1 $0x1082;
	[sflag:s4] =	ssyncset.s32 $0xFFFFF086  }
0x25: {  	[simem:s6], [sflag:s4] =	dma.local [hbm:s3], $0xF7A  }
0x26: {  	[smem:$0x3F9D] =	sst s1;
	(tag) =	ssettag s2;
	_ =	strace s9  }
0x27: {  	s1 =	sld [smem:$0x3FAD]  }
0x28: {  	s2 =	sld [smem:$0x3FAE]  }
0x29: {  	s4 =	sld [smem:$0x3FB0]  }
0x2a: {  	p0 =	seq.s32 s5, $0x0;
	s5 =	sld [smem:$0x3FB1]  }
0x2b: {  	s6 =	sld [smem:$0x3FB2]  }
0x2c: {  	s7 =	sld [smem:$0x3FB3]  }
0x2d: {  	s3 =	simm.s32 $0x108;
	s8 =	sld [smem:$0x3FB4]  }
0x2e: {  	s3 =	simm.s32 @!p0 $0x1082;
	s9 =	sld [smem:$0x3FB5]  }
0x2f: {  	lr =	sadd.s32 s0, s3;
	s0 =	sld [smem:$0x3FAC]  }
0x30: {  	s3 =	sld [smem:$0x3FAF]  }
0x31: {  	[smem:$0x3FB8] =	sst s10  }
0x32: {  	s10 =	sld [smem:$0x3FB6];
	_ =	sdelay $0x3  }
0x33: {  	p0 =	seq.s32 s10, $0x1;
	s10 =	sld [smem:$0x3FB8];
	_ =	sdelay $0x3  }
0x34: {  	[smem:$0x3FB8] =	sst s10  }
0x35: {  	s10 =	sld [smem:$0x3FB7];
	_ =	sdelay $0x3  }
0x36: {  	p1 =	seq.s32 s10, $0x1;
	s10 =	sld [smem:$0x3FB8];
	_ =	sdelay $0x3  }
0x37: {  	[smem:$0x3FB8] =	sst s10  }
0x38: {  	s10 =	sld [smem:$0x3FB9]  }
0x39: {  	_ = 	snop;
	(pc) =	sbr.ind lr, $3  }
0x3a: {  	_ = 	snop  }
0x3b: {  	_ = 	snop  }
0x3c: {  	p2 =	seq.s32 s10, $0x1;
	s10 =	sld [smem:$0x3FB8]  }
0x3d: {  	_ =	shalt  }
0x3e: {  	_ =	shalt  }
0x3f: {  	_ =	shalt  }
0x40: {  	_ =	shalt  }
0x41: {  	_ =	shalt  }
0x42: {  	_ =	shalt  }
0x43: {  	_ =	shalt  }
0x44: {  	_ =	shalt  }
0x45: {  	_ =	shalt  }
0x46: {  	_ =	shalt  }
0x47: {  	_ =	shalt  }
0x48: {  	_ =	shalt  }
0x49: {  	_ =	shalt  }
0x4a: {  	_ =	shalt  }
0x4b: {  	_ =	shalt  }
0x4c: {  	_ =	shalt  }
0x4d: {  	_ =	shalt  }
0x4e: {  	_ =	shalt  }
0x4f: {  	_ =	shalt  }
0x50: {  	_ =	shalt  }
0x51: {  	_ =	shalt  }
0x52: {  	_ =	shalt  }
0x53: {  	_ =	shalt  }
0x54: {  	_ =	shalt  }
0x55: {  	_ =	shalt  }
0x56: {  	_ =	shalt  }
0x57: {  	_ =	shalt  }
0x58: {  	_ =	shalt  }
0x59: {  	_ =	shalt  }
0x5a: {  	_ =	shalt  }
0x5b: {  	_ =	shalt  }
0x5c: {  	_ =	shalt  }
0x5d: {  	_ =	shalt  }
0x5e: {  	_ =	shalt  }
0x5f: {  	_ =	shalt  }
0x60: {  	_ =	shalt  }
0x61: {  	_ =	shalt  }
0x62: {  	_ =	shalt  }
0x63: {  	_ =	shalt  }
0x64: {  	_ =	shalt  }
0x65: {  	_ =	shalt  }
0x66: {  	_ =	shalt  }
0x67: {  	_ =	shalt  }
0x68: {  	_ =	shalt  }
0x69: {  	_ =	shalt  }
0x6a: {  	_ =	shalt  }
0x6b: {  	_ =	shalt  }
0x6c: {  	_ =	shalt  }
0x6d: {  	_ =	shalt  }
0x6e: {  	_ =	shalt  }
0x6f: {  	_ =	shalt  }
0x70: {  	_ =	shalt  }
0x71: {  	_ =	shalt  }
0x72: {  	_ =	shalt  }
0x73: {  	_ =	shalt  }
0x74: {  	_ =	shalt  }
0x75: {  	_ =	shalt  }
0x76: {  	_ =	shalt  }
0x77: {  	_ =	shalt  }
0x78: {  	_ =	shalt  }
0x79: {  	_ =	shalt  }
0x7a: {  	_ =	shalt  }
0x7b: {  	_ =	shalt  }
0x7c: {  	_ =	shalt  }
0x7d: {  	_ =	shalt  }
0x7e: {  	_ =	shalt  }
0x7f: {  	_ =	shalt  }
0x80: {  	_ =	shalt  }
0x81: {  	_ =	shalt  }
0x82: {  	_ =	shalt  }
0x83: {  	_ =	shalt  }
0x84: {  	_ =	shalt  }
0x85: {  	_ =	shalt  }
0x86: {  	_ =	shalt  }
0x87: {  	_ =	shalt  }
.Lfunc_end0:
.L_simem_size_0:
called_computation_lowered:
.L_overlay_start_0:
0x88: {  	s2 =	sld [smem:$0x3FD9]  }
0x89: {  	s3 =	sld [smem:$0x3FFE];
	_ =	sdelay $0x1  }
0x8a: {  	s1 =	srdreg.scid  }
0x8b: {  	s0 =	sand.u32 $0x1, s1  }
0x8c: {  	s16 =	sshll.u32 s0, $0xA;
	s2 =	sadd.s32 s3, s2  }
0x8d: {  	s2 =	sadd.s32 s2, s16  }
0x8e: {  	[smem:$0x3FC4] =	sst s2  }
0x8f: {  	_ = 	snop  }
0x90: {  	(tm) =	ssettm $0x1  }
0x91: {  	s17 =	sld [smem:$0x3FFB];
	_ =	sdelay $0x3  }
0x92: {  	_ =	strace s17  }
0x93: {  	s2 =	sld [smem:$0x3FFC];
	_ =	sdelay $0x3  }
0x94: {  	_ =	strace s2  }
0x95: {  	s2 =	sld [smem:$0x3FFD];
	_ =	sdelay $0x3  }
0x96: {  	_ =	strace s2  }
0x97: {  	_ =	strace $0x8FFFFFFF  }
0x98: {  	s18 =	sld [smem:$0x3FDB];
	_ =	sdelay $0x1  }
0x99: {  	s19 =	simm.s32 $_scs_section_size  }
0x9a: {  	s4 =	simm.s32 $_size__tile_overlayer_lowered;
	s5 =	simm.s32 $_tile_overlayer_lowered  }
0x9b: {  	s22 =	simm.s32 $0x1BFF;
	s21 =	sshll.u32 s5, $0x1;
	s2 =	sadd.s32 s19, s18  }
0x9c: {  	s6 =	simm.s32 $0x0;
	s20 =	sshll.u32 s4, $0x1;
	s4 =	sadd.s32 s21, s2  }
0x9d: {  	[timem:s6], [sflag:s22] =	dma.local [hbm:s4], s20  }
0x9e: {  	_ =	swait.ge [sflag:s22], s20  }
0x9f: {  	s3 =	ssub.s32 $0x0, s20;
	[sflag:s22] =	ssyncset.done $0x0  }
0xa0: {  	[sflag:s22] =	ssyncadd.s32 s3;
	_ =	sdelay $0x1  }
0xa1: {  	s23 =	simm.s32 $0x1B8B  }
0xa2: {  	_ =	swait.ge [sflag:s23], $0x1  }
0xa3: {  	[sflag:s23] =	ssyncset.done $0x0  }
0xa4: {  	s25 =	simm.s32 $0x1B8E;
	s24 =	sld [smem:$0x3FFE];
	[sflag:s23] =	ssyncadd.s32 $0xFFFFFFFF  }
0xa5: {  	s26 =	simm.s32 $execute0_lowered;
	[smem:$0x3FD2] =	sst s25  }
0xa6: {  	s4 =	sshll.u32 s26, $0x1;
	_ =	strace $0x80000046;
	[dreg:$0x1] =	wrdreg $0xFFFFFFFF  }
0xa7: {  	s28 =	simm.s32 $_size_execute0_lowered;
	s2 =	sadd.s32 s2, s4;
	[dreg:$0x0] =	wrdreg $0x0  }
0xa8: {  	s4 =	sshll.u32 s28, $0x1;
	[dreg:$0x2] =	wrdreg s2  }
0xa9: {  	[dreg:$0x3] =	wrdreg s4  }
0xaa: {  	[dreg:$0x4] =	wrdreg $0xC0  }
0xab: {  	_ =	task [dreg:s6], $0x5FFFF  }
0xac: {  	[dreg:$0x1] =	wrdreg $0xFFFFFFFF  }
0xad: {  	[dreg:$0x0] =	wrdreg $0x60  }
0xae: {  	[dreg:$0x2] =	wrdreg s24  }
0xaf: {  	[dreg:$0x3] =	wrdreg $0x9  }
0xb0: {  	_ =	task.clear_ibuf [dreg:s6], $0x4FFFF;
	_ =	strace $0x90000046  }
0xb1: {  	s29 =	simm.s32 $0x9;
	_ =	strace $0x80000048  }
0xb2: {  	_ =	swait.ge [sflag:s29], $0x1  }
0xb3: {  	[sflag:s29] =	ssyncadd.s32 $0xFFFFFFFF  }
0xb4: {  	_ =	strace $0x90000048  }
0xb5: {  	_ =	sfence  }
0xb6: {  	s30 =	sld [smem:$0x0];
	_ =	sdelay $0x2  }
0xb7: {  	s31 =	sshll.u32 s1, $0xD;
	s1 =	sshrl.u32 s1, $0x2  }
0xb8: {  	s3 =	sand.u32 $0x4000, s31;
	s1 =	sadd.s32 s1, s30  }
0xb9: {  	s0 =	sor.u32 s3, s0;
	s1 =	sshll.u32 s1, $0x11  }
0xba: {  	s0 =	sor.u32 s1, s0  }
0xbb: {  	s0 =	sadd.s32 $0x8F2B, s0  }
0xbc: {  	[sflag:s0] =	ssyncadd.remote.s32 $0x1  }
0xbd: {  	_ =	sfence.sel $0xFFFF  }
0xbe: {  	[dreg:$0x0] =	wrdreg $0xFFFFFFFF;
	(pc) =	sbr.abs _section_cstart, $3  }
0xbf: {  	[dreg:$0x1] =	wrdreg $0xFFFFFFFF  }
0xc0: {  	_ =	task.clear_ibuf [dreg:s6], $0x2FFFF;
	_ =	strace $0x9FFFFFFF  }
0xc1: {  	(tm) =	ssettm $0x7FFFFFFF  }
tec
execute0_lowered:
.L_overlay_start_1:
0x0: {  	(tag) =	ssettag $0x1  }
0x1: {  	s4 =	rddreg [dreg:$0x0]  }
0x2: {  	s0 =	rddreg [dreg:$0x1]  }
0x3: {  	s2 =	simm.s32 $0x0;
	s3 =	srdreg.scid;
	s1 =	stileid.u32  }
0x4: {  	s13 =	simm.s32 $0x28F0;
	s14 =	simm.s32 $0xA3C0;
	s15 =	simm.s32 $0x51E0  }
0x5: {  	s16 =	simm.s32 $0xCCB0;
	s17 =	simm.s32 $0xF5A0;
	s18 =	simm.s32 $0x1  }
0x6: {  	s19 =	simm.s32 $0x2;
	s20 =	simm.s32 $0x115A0;
	s21 =	simm.s32 $0x5  }
0x7: {  	s22 =	simm.s32 $0x0;
	s3 =	sand.u32 $0x1, s3;
	s5 =	sshll.u32 s1, $0x1  }
0x8: {  	[smem:$0x7FF] =	sst s2;
	s8 =	sadd.s32 $0x800, s4;
	s5 =	sor.u32 s3, s5  }
0x9: {  	s9 =	sadd.s32 $0x1F400, s4;
	_ =	strace $0x80000047;
	s7 =	smul.u32 $0x28F0, s5  }
0xa: {  	s6 =	ssub.s32 $0x2, s3;
	s3 =	sadd.s32 $0x3E000, s4;
	s5 =	sshll.u32 s5, $0x1  }
0xb: {  	s10 =	sshrl.u32 s6, $0x1;
	s11 =	sadd.s32 s5, s4;
	s31 =	sshrl.u32 s7, $0x3  }
0xc: {  	s12 =	ssub.s32 s6, s10;
	s4 =	sadd.s32 s8, s31;
	s7 =	sadd.s32 $0xA3C0, s31  }
0xd: {  	s5 =	sadd.s32 s9, s31;
	s10 =	sadd.s32 $0x14780, s31;
	s6 =	sadd.s32 s8, s7  }
0xe: {  	s7 =	sadd.s32 s9, s7;
	s8 =	sadd.s32 s8, s10;
	s9 =	sadd.s32 s9, s10  }
0xf: {  	s10 =	sadd.s32 $0x40A00, s11;
	s11 =	smax.u32 s12, $0x1;
	s12 =	simm.s32 $0x7AD0  }
.LBB2_1:
0x10: {  	[tilespmem:s2], [sflag:$0x1] =	stream.linear.gather [hbm4b:s4+s2], $0x28F0, $0x38;
	[tilespmem:$0x115B0] =	vst v63  }
0x11: {  	_ = 	snop  }
0x12: {  	[tilespmem:s12], [sflag:$0x2] =	stream.linear.gather [hbm4b:s5+s2], $0x28F0, $0x38;
	[tilespmem:$0x115B0] =	vst v63  }
0x13: {  	_ = 	snop  }
0x14: {  	[tilespmem:s13], [sflag:$0x1] =	stream.linear.gather [hbm4b:s6+s2], $0x28F0, $0x38;
	[tilespmem:$0x115B0] =	vst v63  }
0x15: {  	_ = 	snop  }
0x16: {  	[tilespmem:s14], [sflag:$0x2] =	stream.linear.gather [hbm4b:s7+s2], $0x28F0, $0x38;
	[tilespmem:$0x115B0] =	vst v63  }
0x17: {  	_ = 	snop  }
0x18: {  	[tilespmem:s15], [sflag:$0x1] =	stream.linear.gather [hbm4b:s8+s2], $0x28F0, $0x38;
	[tilespmem:$0x115B0] =	vst v63  }
0x19: {  	_ = 	snop  }
0x1a: {  	[tilespmem:s16], [sflag:$0x2] =	stream.linear.gather [hbm4b:s9+s2], $0x28F0, $0x38;
	[tilespmem:$0x115B0] =	vst v63  }
0x1b: {  	_ = 	snop  }
0x1c: {  	[tilespmem:s17], [sflag:$0x3] =	stream.linear.gather [hbm4b:s3+s2], $0x1000, $0x38;
	[tilespmem:$0x115B0] =	vst v63  }
0x1d: {  	_ =	swait.ge [sflag:s18], $0x28F0  }
0x1e: {  	[sflag:s18] =	ssyncset.done $0x0  }
0x1f: {  	[sflag:s18] =	ssyncadd.s32 $0xFFFFD710  }
0x20: {  	_ =	swait.ge [sflag:s19], $0x28F0  }
0x21: {  	[sflag:s19] =	ssyncset.done $0x0  }
0x22: {  	[sflag:s19] =	ssyncadd.s32 $0xFFFFD710  }
0x23: {  	_ =	swait.ge [sflag:s18], $0x28F0  }
0x24: {  	[sflag:s18] =	ssyncset.done $0x0  }
0x25: {  	[sflag:s18] =	ssyncadd.s32 $0xFFFFD710  }
0x26: {  	_ =	swait.ge [sflag:s19], $0x28F0  }
0x27: {  	[sflag:s19] =	ssyncset.done $0x0  }
0x28: {  	[sflag:s19] =	ssyncadd.s32 $0xFFFFD710  }
0x29: {  	_ =	swait.ge [sflag:s18], $0x28F0  }
0x2a: {  	[sflag:s18] =	ssyncset.done $0x0  }
0x2b: {  	[sflag:s18] =	ssyncadd.s32 $0xFFFFD710  }
0x2c: {  	_ =	swait.ge [sflag:s19], $0x28F0  }
0x2d: {  	v0 =	vimm.f32 $0.0e+00;
	[sflag:s19] =	ssyncset.done $0x0  }
0x2e: {  	p0 =	por $0x0, $0x0;
	v1 =	vimm.f32 $0.0e+00;
	v2 =	vimm.f32 $0.0e+00;
	v3 =	vimm.f32 $0.0e+00;
	s23 =	simm.s32 $0x0;
	[sflag:s19] =	ssyncadd.s32 $0xFFFFD710  }
.LBB2_3:
0x2f: {  	s24 =	simm.s32 $0x1;
	s26 =	sand.u32 $0x1, s23;
	p1 =	seq.s32 s23, $0x14  }
0x30: {  	s23 =	sadd.s32 $0x1, s23;
	s24 =	simm.s32 @!p0 $0x0;
	s28 =	sadd.s32 $0x3, s26  }
0x31: {  	s29 =	simm.s32 @!p1 $0x0;
	s24 =	sshll.u32 s24, $0xC;
	_ =	swait.ge [sflag:s28], $0x1000  }
0x32: {  	s25 =	sadd.s32 $0xFDA0, s24;
	s24 =	sxor.u32 @!p1 $0x1, s26;
	[sflag:s28] =	ssyncset.done $0x0  }
0x33: {  	s26 =	sshll.u32 @!p1 s24, $0xC;
	[sflag:s28] =	ssyncadd.s32 $0xFFFFF000;
	s28 =	sshll.u32 @!p1 s23, $0x9  }
0x34: {  	s24 =	sadd.s32 @!p1 $0x3, s24;
	s26 =	sadd.s32 @!p1 $0xF5A0, s26;
	s28 =	sadd.s32 @!p1 s3, s28  }
0x35: {  	[tilespmem:s26], [sflag:s24] =	stream.linear.gather @!p1 [hbm4b:s28+s29], $0x1000, $0x38;
	[tilespmem:$0x115B0] =	vst v63  }
0x36: {  	v4 =	vld [tilespmem:s25+$0xFFFFFC30]  }
0x37: {  	v5 =	vld [tilespmem:s25+$0xFFFFF830]  }
0x38: {  	v6 =	vld [tilespmem:s25+$0x430]  }
0x39: {  	v7 =	vld [tilespmem:s25+$0xFFFFFC00]  }
0x3a: {  	v8 =	vld [tilespmem:s25+$0x0]  }
0x3b: {  	v9 =	vld [tilespmem:s25+$0x400]  }
0x3c: {  	v10 =	vld [tilespmem:s25+$0x30]  }
0x3d: {  	v11 =	vld [tilespmem:s25+$0xFFFFF810]  }
0x3e: {  	v20 =	vld [tilespmem:s25+$0xFFFFFC10]  }
0x3f: {  	v21 =	vld [tilespmem:s25+$0x10]  }
0x40: {  	v22 =	vld [tilespmem:s25+$0x410]  }
0x41: {  	v23 =	vld [tilespmem:s25+$0xFFFFF820]  }
0x42: {  	v24 =	vld [tilespmem:s25+$0xFFFFFC20]  }
0x43: {  	v25 =	vld [tilespmem:s25+$0x20]  }
0x44: {  	v26 =	vld [tilespmem:s25+$0x420]  }
0x45: {  	v27 =	vld [tilespmem:s25+$0xFFFFF800]  }
0x46: {  	v12 =	vld.idx.msk [tilespmem:v4+s15+$0x0], $0xffff  }
0x47: {  	v13 =	vld.idx.msk [tilespmem:v5+s15+$0x0], $0xffff  }
0x48: {  	v14 =	vld.idx.msk [tilespmem:v6+s16+$0x0], $0xffff  }
0x49: {  	v15 =	vld.idx.msk [tilespmem:v4+s2+$0x0], $0xffff  }
0x4a: {  	v16 =	vld.idx.msk [tilespmem:v5+s2+$0x0], $0xffff  }
0x4b: {  	v17 =	vld.idx.msk [tilespmem:v6+s12+$0x0], $0xffff  }
0x4c: {  	v18 =	vld.idx.msk [tilespmem:v10+s12+$0x0], $0xffff  }
0x4d: {  	v4 =	vld.idx.msk [tilespmem:v4+s13+$0x0], $0xffff  }
0x4e: {  	v5 =	vld.idx.msk [tilespmem:v5+s13+$0x0], $0xffff  }
0x4f: {  	v6 =	vld.idx.msk [tilespmem:v6+s14+$0x0], $0xffff  }
0x50: {  	v19 =	vld.idx.msk [tilespmem:v10+s14+$0x0], $0xffff  }
0x51: {  	v10 =	vld.idx.msk [tilespmem:v10+s16+$0x0], $0xffff  }
0x52: {  	v28 =	vld.idx.msk [tilespmem:v7+s2+$0x0], $0xffff  }
0x53: {  	v29 =	vld.idx.msk [tilespmem:v9+s12+$0x0], $0xffff  }
0x54: {  	v30 =	vld.idx.msk [tilespmem:v8+s12+$0x0], $0xffff  }
0x55: {  	v31 =	vld.idx.msk [tilespmem:v7+s13+$0x0], $0xffff  }
0x56: {  	v32 =	vld.idx.msk [tilespmem:v9+s14+$0x0], $0xffff  }
0x57: {  	v33 =	vld.idx.msk [tilespmem:v8+s14+$0x0], $0xffff  }
0x58: {  	v34 =	vld.idx.msk [tilespmem:v20+s2+$0x0], $0xffff  }
0x59: {  	v35 =	vld.idx.msk [tilespmem:v27+s2+$0x0], $0xffff  }
0x5a: {  	v36 =	vld.idx.msk [tilespmem:v27+s13+$0x0], $0xffff  }
0x5b: {  	v37 =	vld.idx.msk [tilespmem:v11+s2+$0x0], $0xffff  }
0x5c: {  	v38 =	vld.idx.msk [tilespmem:v22+s12+$0x0], $0xffff  }
0x5d: {  	v39 =	vld.idx.msk [tilespmem:v21+s12+$0x0], $0xffff  }
0x5e: {  	v40 =	vld.idx.msk [tilespmem:v20+s13+$0x0], $0xffff  }
0x5f: {  	v57 =	vld.idx.msk [tilespmem:v23+s13+$0x0], $0xffff  }
0x60: {  	v59 =	vld.idx.msk [tilespmem:v25+s14+$0x0], $0xffff  }
0x61: {  	v7 =	vld.idx.msk [tilespmem:v7+s15+$0x0], $0xffff  }
0x62: {  	v27 =	vld.idx.msk [tilespmem:v27+s15+$0x0], $0xffff;
	v15 =	vsub.f32 v15, v16;
	v16 =	vsub.f32 v17, v18  }
0x63: {  	v17 =	vld.idx.msk [tilespmem:v11+s13+$0x0], $0xffff;
	v4 =	vsub.f32 v4, v5;
	v5 =	vsub.f32 v6, v19  }
0x64: {  	v6 =	vld.idx.msk [tilespmem:v22+s14+$0x0], $0xffff;
	v12 =	vsub.f32 v12, v13;
	v10 =	vsub.f32 v14, v10  }
0x65: {  	v13 =	vld.idx.msk [tilespmem:v21+s14+$0x0], $0xffff;
	v14 =	vsub.f32 v15, v16;
	v4 =	vsub.f32 v4, v5  }
0x66: {  	v58 =	vsub.f32 v29, v30;
	v5 =	vld.idx.msk [tilespmem:v24+s2+$0x0], $0xffff  }
0x67: {  	v15 =	vld.idx.msk [tilespmem:v23+s2+$0x0], $0xffff;
	v10 =	vsub.f32 v12, v10;
	v14 =	vmul.f32 v14, v14;
	v4 =	vmul.f32 v4, v4  }
0x68: {  	v28 =	vsub.f32 v28, v35;
	v60 =	vsub.f32 v31, v36;
	v12 =	vld.idx.msk [tilespmem:v26+s12+$0x0], $0xffff  }
0x69: {  	v61 =	vsub.f32 v34, v37;
	v16 =	vld.idx.msk [tilespmem:v25+s12+$0x0], $0xffff;
	v10 =	vmul.f32 v10, v10;
	v4 =	vadd.f32 v4, v14  }
0x6a: {  	v62 =	vsub.f32 v38, v39;
	v17 =	vsub.f32 v40, v17;
	v14 =	vld.idx.msk [tilespmem:v24+s13+$0x0], $0xffff  }
0x6b: {  	v6 =	vsub.f32 v6, v13;
	v4 =	vadd.f32 v10, v4;
	v10 =	vld.idx.msk [tilespmem:v26+s14+$0x0], $0xffff  }
0x6c: {  	v9 =	vld.idx.msk [tilespmem:v9+s16+$0x0], $0xffff;
	v19 =	vsub.f32 v28, v58;
	v13 =	vsub.f32 v61, v62  }
0x6d: {  	v8 =	vld.idx.msk [tilespmem:v8+s16+$0x0], $0xffff;
	v6 =	vsub.f32 v17, v6;
	v15 =	vsub.f32 v5, v15  }
0x6e: {  	v20 =	vld.idx.msk [tilespmem:v20+s15+$0x0], $0xffff;
	v0 =	vadd.f32 v4, v0;
	v4 =	vsub.f32 v32, v33  }
0x6f: {  	v17 =	vld.idx.msk [tilespmem:v11+s15+$0x0], $0xffff;
	v11 =	vsub.f32 v12, v16;
	v12 =	vmul.f32 v13, v13;
	v13 =	vsub.f32 v14, v57  }
0x70: {  	v5 =	vld.idx.msk [tilespmem:v21+s16+$0x0], $0xffff;
	v4 =	vsub.f32 v60, v4;
	v10 =	vsub.f32 v10, v59  }
0x71: {  	v6 =	vmul.f32 v6, v6;
	v14 =	vsub.f32 v15, v11;
	v15 =	vsub.f32 v7, v27;
	v7 =	vld.idx.msk [tilespmem:v24+s15+$0x0], $0xffff  }
0x72: {  	v16 =	vsub.f32 v9, v8;
	v63 =	vmul.f32 v4, v4;
	v4 =	vld.idx.msk [tilespmem:v22+s16+$0x0], $0xffff;
	v13 =	vsub.f32 v13, v10  }
0x73: {  	v19 =	vmul.f32 v19, v19;
	v11 =	vld.idx.msk [tilespmem:v23+s15+$0x0], $0xffff;
	v9 =	vadd.f32 v6, v12  }
0x74: {  	v12 =	vld.idx.msk [tilespmem:v25+s16+$0x0], $0xffff;
	v6 =	vmul.f32 v14, v14;
	v15 =	vsub.f32 v15, v16;
	v13 =	vmul.f32 v13, v13  }
0x75: {  	s24 =	simm.s32 $0x0;
	s25 =	sadd.s32 $0x40, s25;
	v14 =	vsub.f32 v20, v17;
	v10 =	vld.idx.msk [tilespmem:v26+s16+$0x0], $0xffff;
	v8 =	vadd.f32 v63, v19  }
.LBB2_4:
0x76: {  	v16 =	vld [tilespmem:s25+$0xFFFFFC30];
	v13 =	vadd.f32 v13, v6  }
0x77: {  	v4 =	vsub.f32 v4, v5;
	v17 =	vld [tilespmem:s25+$0xFFFFF830];
	v15 =	vmul.f32 v15, v15  }
0x78: {  	v18 =	vld [tilespmem:s25+$0x430]  }
0x79: {  	v5 =	vsub.f32 v14, v4;
	v11 =	vsub.f32 v7, v11;
	v6 =	vld [tilespmem:s25+$0xFFFFFC00]  }
0x7a: {  	v8 =	vadd.f32 v15, v8;
	v4 =	vld [tilespmem:s25+$0x0]  }
0x7b: {  	v14 =	vmul.f32 v5, v5;
	v10 =	vsub.f32 v10, v12;
	v7 =	vld [tilespmem:s25+$0x400]  }
0x7c: {  	v3 =	vadd.f32 v8, v3;
	v12 =	vld [tilespmem:s25+$0x30]  }
0x7d: {  	v8 =	vadd.f32 v14, v9;
	v9 =	vsub.f32 v11, v10;
	v5 =	vld [tilespmem:s25+$0xFFFFF810]  }
0x7e: {  	v10 =	vld.idx.msk [tilespmem:v16+s15+$0x0], $0xffff  }
0x7f: {  	v2 =	vadd.f32 v8, v2;
	v8 =	vmul.f32 v9, v9;
	v11 =	vld.idx.msk [tilespmem:v17+s15+$0x0], $0xffff  }
0x80: {  	s24 =	sadd.s32 $0x4, s24;
	v9 =	vld.idx.msk [tilespmem:v18+s16+$0x0], $0xffff  }
0x81: {  	p1 =	slt.u32 s24, $0x3C;
	v8 =	vadd.f32 v8, v13;
	v14 =	vld.idx.msk [tilespmem:v16+s2+$0x0], $0xffff  }
0x82: {  	v13 =	vld.idx.msk [tilespmem:v17+s2+$0x0], $0xffff  }
0x83: {  	v1 =	vadd.f32 v8, v1;
	v15 =	vld.idx.msk [tilespmem:v18+s12+$0x0], $0xffff  }
0x84: {  	v8 =	vld.idx.msk [tilespmem:v12+s12+$0x0], $0xffff  }
0x85: {  	v16 =	vld.idx.msk [tilespmem:v16+s13+$0x0], $0xffff  }
0x86: {  	v17 =	vld.idx.msk [tilespmem:v17+s13+$0x0], $0xffff  }
0x87: {  	v18 =	vld.idx.msk [tilespmem:v18+s14+$0x0], $0xffff  }
0x88: {  	v19 =	vld.idx.msk [tilespmem:v12+s14+$0x0], $0xffff  }
0x89: {  	v12 =	vld.idx.msk [tilespmem:v12+s16+$0x0], $0xffff  }
0x8a: {  	v20 =	vld [tilespmem:s25+$0xFFFFFC10]  }
0x8b: {  	v21 =	vld [tilespmem:s25+$0x10]  }
0x8c: {  	v22 =	vld [tilespmem:s25+$0x410]  }
0x8d: {  	v13 =	vsub.f32 v14, v13;
	v8 =	vsub.f32 v15, v8;
	v23 =	vld [tilespmem:s25+$0xFFFFF820]  }
0x8e: {  	v15 =	vsub.f32 v16, v17;
	v16 =	vsub.f32 v18, v19;
	v14 =	vld [tilespmem:s25+$0xFFFFFC20]  }
0x8f: {  	v10 =	vsub.f32 v10, v11;
	v9 =	vsub.f32 v9, v12;
	v17 =	vld [tilespmem:s25+$0x20]  }
0x90: {  	v8 =	vsub.f32 v13, v8;
	v11 =	vsub.f32 v15, v16;
	v12 =	vld [tilespmem:s25+$0x420]  }
0x91: {  	v13 =	vld [tilespmem:s25+$0xFFFFF800]  }
0x92: {  	v8 =	vmul.f32 v8, v8;
	v9 =	vsub.f32 v10, v9;
	v11 =	vmul.f32 v11, v11;
	v15 =	vld.idx.msk [tilespmem:v6+s2+$0x0], $0xffff  }
0x93: {  	v10 =	vld.idx.msk [tilespmem:v7+s12+$0x0], $0xffff  }
0x94: {  	v9 =	vmul.f32 v9, v9;
	v8 =	vadd.f32 v11, v8;
	v16 =	vld.idx.msk [tilespmem:v4+s12+$0x0], $0xffff  }
0x95: {  	v11 =	vld.idx.msk [tilespmem:v6+s13+$0x0], $0xffff  }
0x96: {  	v8 =	vadd.f32 v9, v8;
	v18 =	vld.idx.msk [tilespmem:v7+s14+$0x0], $0xffff  }
0x97: {  	v9 =	vld.idx.msk [tilespmem:v4+s14+$0x0], $0xffff  }
0x98: {  	v0 =	vadd.f32 v8, v0;
	v19 =	vld.idx.msk [tilespmem:v20+s2+$0x0], $0xffff  }
0x99: {  	v8 =	vld.idx.msk [tilespmem:v13+s2+$0x0], $0xffff  }
0x9a: {  	v10 =	vsub.f32 v10, v16;
	v16 =	vld.idx.msk [tilespmem:v13+s13+$0x0], $0xffff  }
0x9b: {  	v24 =	vld.idx.msk [tilespmem:v5+s2+$0x0], $0xffff  }
0x9c: {  	v25 =	vld.idx.msk [tilespmem:v22+s12+$0x0], $0xffff  }
0x9d: {  	v9 =	vsub.f32 v18, v9;
	v18 =	vld.idx.msk [tilespmem:v21+s12+$0x0], $0xffff  }
0x9e: {  	v26 =	vld.idx.msk [tilespmem:v20+s13+$0x0], $0xffff  }
0x9f: {  	v8 =	vsub.f32 v15, v8;
	v15 =	vld.idx.msk [tilespmem:v5+s13+$0x0], $0xffff  }
0xa0: {  	v11 =	vsub.f32 v11, v16;
	v16 =	vld.idx.msk [tilespmem:v22+s14+$0x0], $0xffff  }
0xa1: {  	v8 =	vsub.f32 v8, v10;
	v10 =	vsub.f32 v19, v24;
	v19 =	vld.idx.msk [tilespmem:v21+s14+$0x0], $0xffff  }
0xa2: {  	v9 =	vsub.f32 v11, v9;
	v11 =	vld.idx.msk [tilespmem:v14+s2+$0x0], $0xffff  }
0xa3: {  	v8 =	vmul.f32 v8, v8;
	v18 =	vsub.f32 v25, v18;
	v24 =	vld.idx.msk [tilespmem:v23+s2+$0x0], $0xffff  }
0xa4: {  	v9 =	vmul.f32 v9, v9;
	v25 =	vld.idx.msk [tilespmem:v12+s12+$0x0], $0xffff  }
0xa5: {  	v10 =	vsub.f32 v10, v18;
	v15 =	vsub.f32 v26, v15;
	v18 =	vld.idx.msk [tilespmem:v17+s12+$0x0], $0xffff  }
0xa6: {  	v8 =	vadd.f32 v9, v8;
	v9 =	vld.idx.msk [tilespmem:v14+s13+$0x0], $0xffff  }
0xa7: {  	v10 =	vmul.f32 v10, v10;
	v16 =	vsub.f32 v16, v19;
	v19 =	vld.idx.msk [tilespmem:v23+s13+$0x0], $0xffff  }
0xa8: {  	v26 =	vld.idx.msk [tilespmem:v12+s14+$0x0], $0xffff  }
0xa9: {  	v15 =	vsub.f32 v15, v16;
	v11 =	vsub.f32 v11, v24;
	v16 =	vld.idx.msk [tilespmem:v17+s14+$0x0], $0xffff  }
0xaa: {  	v24 =	vld.idx.msk [tilespmem:v6+s15+$0x0], $0xffff  }
0xab: {  	v6 =	vmul.f32 v15, v15;
	v15 =	vsub.f32 v25, v18;
	v13 =	vld.idx.msk [tilespmem:v13+s15+$0x0], $0xffff  }
0xac: {  	v18 =	vld.idx.msk [tilespmem:v7+s16+$0x0], $0xffff  }
0xad: {  	v7 =	vsub.f32 v9, v19;
	v25 =	vld.idx.msk [tilespmem:v4+s16+$0x0], $0xffff;
	v4 =	vsub.f32 v11, v15  }
0xae: {  	v9 =	vadd.f32 v6, v10;
	v19 =	vld.idx.msk [tilespmem:v20+s15+$0x0], $0xffff  }
0xaf: {  	v10 =	vsub.f32 v26, v16;
	v20 =	vld.idx.msk [tilespmem:v5+s15+$0x0], $0xffff;
	v6 =	vmul.f32 v4, v4  }
0xb0: {  	v4 =	vld.idx.msk [tilespmem:v22+s16+$0x0], $0xffff  }
.Ltmp0:
0xb1: {  	v15 =	vsub.f32 v24, v13;
	v10 =	vsub.f32 v7, v10;
	v5 =	vld.idx.msk [tilespmem:v21+s16+$0x0], $0xffff;
	(pc) =	sbr.rel @p1 .LBB2_4-.Ltmp0, $4  }
0xb2: {  	v7 =	vld.idx.msk [tilespmem:v14+s15+$0x0], $0xffff  }
0xb3: {  	v14 =	vsub.f32 v18, v25;
	v13 =	vmul.f32 v10, v10;
	v11 =	vld.idx.msk [tilespmem:v23+s15+$0x0], $0xffff  }
0xb4: {  	v10 =	vld.idx.msk [tilespmem:v12+s16+$0x0], $0xffff  }
0xb5: {  	s25 =	sadd.s32 $0x40, s25;
	v15 =	vsub.f32 v15, v14;
	v14 =	vsub.f32 v19, v20;
	v12 =	vld.idx.msk [tilespmem:v17+s16+$0x0], $0xffff  }
0xb6: {  	_ =	sdelay $0x2  }
0xb7: {  	v4 =	vsub.f32 v4, v5  }
0xb8: {  	v5 =	vsub.f32 v7, v11;
	v62 =	vsub.f32 v10, v12;
	_ =	sdelay $0x1  }
0xb9: {  	v4 =	vsub.f32 v14, v4;
	v5 =	vsub.f32 v5, v62  }
0xba: {  	v63 =	vmul.f32 v15, v15  }
0xbb: {  	v6 =	vadd.f32 v13, v6;
	v4 =	vmul.f32 v4, v4;
	v5 =	vmul.f32 v5, v5  }
0xbc: {  	v7 =	vadd.f32 v63, v8  }
0xbd: {  	v4 =	vadd.f32 v4, v9;
	v5 =	vadd.f32 v5, v6  }
0xbe: {  	v3 =	vadd.f32 v7, v3  }
0xbf: {  	v2 =	vadd.f32 v4, v2;
	v1 =	vadd.f32 v5, v1  }
0xc0: {  	p1 =	seq.s32 s23, $0x15  }
.Ltmp1:
0xc1: {  	_ = 	snop;
	(pc) =	sbr.rel @!p1 .LBB2_3-.Ltmp1, $2  }
0xc2: {  	_ =	sdelay $0x2  }
0xc3: {  	p0 =	por !p0, !p0  }
0xc4: {  	v2 =	vadd.f32 v2, v3;
	v0 =	vadd.f32 v0, v1;
	_ =	sdelay $0x1  }
0xc5: {  	s22 =	sadd.s32 $0x1, s22;
	v0 =	vadd.f32 v0, v2  }
0xc6: {  	p0 =	sne.s32 s22, s11  }
.Ltmp2:
0xc7: {  	[tilespmem:$0x115A0] =	vst v0;
	(pc) =	sbr.rel @p0 .LBB2_1-.Ltmp2, $4  }
0xc8: {  	[hbm4b:s10+s2] =	stream.linear.scatter [tilespmem:s20], [sflag:$0x5], $0x10, $0x38;
	[tilespmem:$0x115B0] =	vst v63  }
0xc9: {  	_ =	swait.ge [sflag:s21], $0x10  }
0xca: {  	[sflag:s21] =	ssyncset.done $0x0  }
0xcb: {  	[sflag:s21] =	ssyncadd.s32 $0xFFFFFFF0  }
0xcc: {  	_ =	sfence.sel $0x180000  }
0xcd: {  	[bflag:$0x0] =	sbarrier.arrive $0xFFFF  }
0xce: {  	p0 =	sne.s32 s1, $0x0;
	_ =	strace $0x90000047  }
0xcf: {  	s0 =	sadd.s32 @!p0 $0x100000, s0;
	[bflag:$0x2] =	sbarrier.arrive $0xFFFF  }
0xd0: {  	[sflag:s0] =	ssyncadd.tile.s32 @!p0 $0x1;
	_ =	shalt  }
.Lfunc_end2:
_tile_overlayer_lowered:
.L_overlay_start_2:
0xd1: {  	(tag) =	ssettag $0x2  }
0xd2: {  	s0 =	rddreg [dreg:$0x0];
	s2 =	stileid.u32  }
0xd3: {  	s1 =	rddreg [dreg:$0x1];
	p0 =	sne.s32 s2, $0x0  }
0xd4: {  	s3 =	rddreg [dreg:$0x2];
	[bflag:$0x3] =	sbarrier.arrive $0xFFFF;
	s2 =	simm.s32 @!p0 $0x1C05  }
0xd5: {  	[timem:s3], [sflag:s2] =	dma.local @!p0 [hbm:s0], s1  }
0xd6: {  	s0 =	simm.s32 @!p0 $0x5  }
0xd7: {  	_ =	swait.ge @!p0 [sflag:s0], s1  }
0xd8: {  	s1 =	ssub.s32 @!p0 $0x0, s1;
	[sflag:s0] =	ssyncset.done @!p0 $0x0  }
0xd9: {  	[sflag:s0] =	ssyncadd.s32 @!p0 s1  }
0xda: {  	[bflag:$0x3] =	sbarrier.arrive $0xFFFF  }
0xdb: {  	_ =	shalt  }

</sc_bundles>
